<compile_context>
chip_gen: v7x
topology: tpu7x:2x2x1
jax: 0.10.2.dev20260603
libtpu: 0.0.44.dev20260713+nightly
codegen_flags: <defaults>
</compile_context>

<pallas_src>
import functools

import jax
import jax.numpy as jnp
from jax import lax
from jax.experimental import pallas as pl
from jax.experimental.pallas import tpu as pltpu
from jax.experimental.pallas import tpu_sc as plsc

Z = 256
P = 8
S = 50
K = 256
B = 32
N = 512
D = 512
H = 512

_F32 = jnp.float32
_I32 = jnp.int32


def _softplus(x):
    return jnp.maximum(x, 0.0) + jnp.log(1.0 + jnp.exp(-jnp.abs(x)))


def _dot(a, b, dims):
    return lax.dot_general(a, b, (dims, ((), ())),
                           precision=lax.Precision.HIGHEST,
                           preferred_element_type=_F32)


def _dotv(a, b, dims):
    return lax.dot_general(a, b, (dims, ((), ())),
                           preferred_element_type=_F32)


def _proxy_body(prox_p, eps_p, decW_p, decb_p, prox_r, eps_r, decW_r, decb_r,
                sig_p_o, zpn_p_o, dec_p_o, sig_r_o, zpn_r_o, dec_r_o):
    def one(prox_ref, eps_ref, decW_ref, decb_ref, sig_o, zpn_o, dec_o):
        prox = prox_ref[...]
        mu = prox[:, :Z]
        sig = _softplus(prox[:, Z:])
        zps = mu[:, None, :] + sig[:, None, :] * eps_ref[...]
        zp = jnp.mean(zps, axis=1)
        dec = _dotv(zp, decW_ref[...], (((1,), (0,)))) + decb_ref[...]
        ss = jnp.sum(zp * zp, axis=1, keepdims=True)
        zpn = zp / jnp.maximum(jnp.sqrt(ss), 1e-12)
        sig_o[...] = sig
        zpn_o[...] = zpn
        dec_o[...] = dec

    one(prox_p, eps_p, decW_p, decb_p, sig_p_o, zpn_p_o, dec_p_o)
    one(prox_r, eps_r, decW_r, decb_r, sig_r_o, zpn_r_o, dec_r_o)


def _proxy_call(p_proxies, p_eps, p_decW, p_decb, r_proxies, r_eps, r_decW, r_decb):
    return pl.pallas_call(
        _proxy_body,
        out_shape=(
            jax.ShapeDtypeStruct((P, Z), _F32),
            jax.ShapeDtypeStruct((P, Z), _F32),
            jax.ShapeDtypeStruct((P, 4), _F32),
            jax.ShapeDtypeStruct((P, Z), _F32),
            jax.ShapeDtypeStruct((P, Z), _F32),
            jax.ShapeDtypeStruct((P, 4), _F32),
        ),
    )(p_proxies, p_eps, p_decW, p_decb.reshape(1, 4),
      r_proxies, r_eps, r_decW, r_decb.reshape(1, 4))


def _rad_body(x_ref, W1_ref, b1_ref, W2_ref, b2_ref, W3_ref, b3_ref,
              zpn_ref, mu_ref, sig_ref, z_out, mu_o, sigma_o):
    x = x_ref[...]
    h = jnp.maximum(_dotv(x, W1_ref[...], ((1,), (0,))) + b1_ref[...], 0.0)
    h = jnp.maximum(_dotv(h, W2_ref[...], ((1,), (0,))) + b2_ref[...], 0.0)
    z = _dotv(h, W3_ref[...], ((1,), (0,))) + b3_ref[...]
    z_out[...] = z
    ss = jnp.sum(z * z, axis=1, keepdims=True)
    zn = z / jnp.maximum(jnp.sqrt(ss), 1e-12)
    att = _dotv(zn, zpn_ref[...], ((1,), (1,)))
    m = jnp.max(att, axis=1, keepdims=True)
    iota_p = lax.broadcasted_iota(_I32, (B, P), 1)
    pos = jnp.min(jnp.where(att == m, iota_p, P), axis=1, keepdims=True)
    oh = (iota_p == pos).astype(_F32)
    mu_o[...] = _dot(oh, mu_ref[...], ((1,), (0,)))
    sigma_o[...] = _dot(oh, sig_ref[...], ((1,), (0,)))


def _rad_call(x, W1, b1, W2, b2, W3, b3, zpn, mu, sig):
    return pl.pallas_call(
        _rad_body,
        out_shape=(
            jax.ShapeDtypeStruct((B, Z), _F32),
            jax.ShapeDtypeStruct((B, Z), _F32),
            jax.ShapeDtypeStruct((B, Z), _F32),
        ),
    )(x, W1, b1.reshape(1, H), W2, b2.reshape(1, H), W3, b3.reshape(1, Z),
      zpn, mu, sig)


_MB = 2


def _mlp_body(x_ref, W1_ref, b1_ref, W2_ref, b2_ref, W3_ref, b3_ref, zpn_ref,
              z_out, att_out):
    x = x_ref[...].reshape(_MB * N, D)
    h = jnp.maximum(_dotv(x, W1_ref[...], ((1,), (0,))) + b1_ref[...], 0.0)
    h = jnp.maximum(_dotv(h, W2_ref[...], ((1,), (0,))) + b2_ref[...], 0.0)
    z = _dotv(h, W3_ref[...], ((1,), (0,))) + b3_ref[...]
    z_out[...] = z.reshape(_MB, N, Z)
    ss = jnp.sum(z * z, axis=1, keepdims=True)
    zn = z / jnp.maximum(jnp.sqrt(ss), 1e-12)
    att = _dotv(zn, zpn_ref[...], ((1,), (1,)))
    att_out[...] = jnp.swapaxes(att.reshape(_MB, N, P), 1, 2)


def _mlp_call(x, W1, b1, W2, b2, W3, b3, zpn):
    full = lambda shape: pl.BlockSpec(shape, lambda i: (0,) * len(shape))
    return pl.pallas_call(
        _mlp_body,
        grid=(B // _MB,),
        in_specs=[
            pl.BlockSpec((_MB, N, D), lambda i: (i, 0, 0)),
            full((D, H)), full((1, H)), full((H, H)), full((1, H)),
            full((H, Z)), full((1, Z)), full((P, Z)),
        ],
        out_specs=(
            pl.BlockSpec((_MB, N, Z), lambda i: (i, 0, 0)),
            pl.BlockSpec((_MB, P, N), lambda i: (i, 0, 0)),
        ),
        out_shape=(
            jax.ShapeDtypeStruct((B, N, Z), _F32),
            jax.ShapeDtypeStruct((B, P, N), _F32),
        ),
    )(x, W1, b1.reshape(1, H), W2, b2.reshape(1, H), W3, b3.reshape(1, Z), zpn)


def _floor_avg(a, b):
    return (a & b) + ((a ^ b) >> 1)


def _bsearch(lo, hi, pred, iters):
    def body(_, c):
        lo, hi = c
        mid = _floor_avg(lo, hi)
        p = pred(mid)
        return jnp.where(p, lo, mid + 1), jnp.where(p, mid, hi)

    lo, hi = lax.fori_loop(0, iters, body, (lo, hi))
    return hi


def _select_body(att_ref, mu_ref, sig_ref, sel_o, mu_o, sigma_o):
    att = att_ref[...]
    s = lax.bitcast_convert_type(att, _I32)
    u = s ^ ((s >> 31) & jnp.int32(0x7FFFFFFF))

    lo = jnp.min(u, axis=(1, 2), keepdims=True)
    hi = jnp.max(u, axis=(1, 2), keepdims=True)

    def pred_t(mid):
        cnt = jnp.sum((u > mid).astype(_I32), axis=(1, 2), keepdims=True)
        return cnt < K

    T = _bsearch(lo, hi, pred_t, 32)
    gt = u > T
    ties = u == T
    need = K - jnp.sum(gt.astype(_I32), axis=(1, 2), keepdims=True)

    iota_p = lax.broadcasted_iota(_I32, (B, P, N), 1)
    iota_n = lax.broadcasted_iota(_I32, (B, P, N), 2)
    f1 = iota_n * P + iota_p
    f2 = iota_p * N + iota_n

    zero = jnp.zeros_like(need)
    top = jnp.full_like(need, N * P - 1)

    def mk_pred(f):
        def pred(mid):
            cnt = jnp.sum((ties & (f <= mid)).astype(_I32), axis=(1, 2),
                          keepdims=True)
            return cnt >= need
        return pred

    J1 = _bsearch(zero, top, mk_pred(f1), 13)
    J2 = _bsearch(zero, top, mk_pred(f2), 13)

    sel1 = gt | (ties & (f1 <= J1))
    sel2 = gt | (ties & (f2 <= J2))
    sel_o[...] = sel2.astype(_F32)

    counts = jnp.sum(sel1.astype(_I32), axis=2)
    m = jnp.max(counts, axis=1, keepdims=True)
    iota_bp = lax.broadcasted_iota(_I32, (B, P), 1)
    pos = jnp.min(jnp.where(counts == m, iota_bp, P), axis=1, keepdims=True)
    oh = (iota_bp == pos).astype(_F32)
    mu_o[...] = _dot(oh, mu_ref[...], ((1,), (0,)))
    sigma_o[...] = _dot(oh, sig_ref[...], ((1,), (0,)))


def _select_call(att, mu, sig):
    return pl.pallas_call(
        _select_body,
        out_shape=(
            jax.ShapeDtypeStruct((B, P, N), _F32),
            jax.ShapeDtypeStruct((B, Z), _F32),
            jax.ShapeDtypeStruct((B, Z), _F32),
        ),
    )(att, mu, sig)


_BB = 4


def _order_body(att_ref, sel_ref, idx_o):
    att = att_ref[...]
    sel = sel_ref[...]

    tri_n = (lax.broadcasted_iota(_I32, (N, N), 0)
             < lax.broadcasted_iota(_I32, (N, N), 1)).astype(_F32)
    prefix = lax.dot_general(sel, tri_n, ((((2,), (0,))), ((), ())),
                             preferred_element_type=_F32)
    tot = jnp.sum(sel, axis=2)
    tri_pT = (lax.broadcasted_iota(_I32, (P, P), 0)
              < lax.broadcasted_iota(_I32, (P, P), 1)).astype(_F32)
    off = _dotv(tot, tri_pT, ((1,), (0,)))
    c2 = prefix + off[:, :, None]
    c2 = jnp.where(sel > 0.0, c2, jnp.float32(2 * K))

    niota = lax.broadcasted_iota(_I32, (1, 1, N), 2).astype(_F32)
    cidx = lax.broadcasted_iota(_I32, (1, K, 1), 1).astype(_F32)
    vcol = jnp.zeros((_BB, K, 1), _F32)
    ncol = jnp.zeros((_BB, K, 1), _F32)
    for p in range(P):
        c2row = c2[:, p:p + 1, :]
        Mp = cidx == c2row
        vcol = vcol + jnp.sum(jnp.where(Mp, att[:, p:p + 1, :], 0.0), axis=2,
                              keepdims=True)
        ncol = ncol + jnp.sum(jnp.where(Mp, niota, 0.0), axis=2, keepdims=True)
    ident = (lax.broadcasted_iota(_I32, (K, K), 0)
             == lax.broadcasted_iota(_I32, (K, K), 1)).astype(_F32)
    vrow = jnp.stack([_dot(vcol[bb], ident, ((0,), (0,)))
                      for bb in range(_BB)])

    iota_r = lax.broadcasted_iota(_I32, (1, K, K), 1)
    iota_c = lax.broadcasted_iota(_I32, (1, K, K), 2)
    gtm = (vrow > vcol).astype(_F32)
    tiem = ((vrow == vcol) & (iota_c < iota_r)).astype(_F32)
    rank = jnp.sum(gtm + tiem, axis=2, keepdims=True)

    srow = lax.broadcasted_iota(_I32, (1, K, K), 2).astype(_F32)
    R = (rank == srow).astype(_F32)
    base = (pl.program_id(0) * _BB * N
            + lax.broadcasted_iota(_I32, (_BB, 1, 1), 0) * N).astype(_F32)
    g = ncol + base
    out = jnp.stack([_dot(g[bb], R[bb], ((0,), (0,)))
                     for bb in range(_BB)])
    idx_o[...] = out.astype(_I32)


def _order_call(att, sel):
    return pl.pallas_call(
        _order_body,
        grid=(B // _BB,),
        in_specs=[
            pl.BlockSpec((_BB, P, N), lambda i: (i, 0, 0)),
            pl.BlockSpec((_BB, P, N), lambda i: (i, 0, 0)),
        ],
        out_specs=pl.BlockSpec((_BB, 1, K), lambda i: (i, 0, 0)),
        out_shape=jax.ShapeDtypeStruct((B, 1, K), _I32),
    )(att, sel)


_NC = 2
_NS = 16
_NW = _NC * _NS
_ROWS_PER_W = (B * K) // _NW
_CHUNK = 128


def _sc_gather_body(z_hbm, idx_hbm, out_hbm, idx_v, rows_v, sem):
    wid = lax.axis_index("s") * _NC + lax.axis_index("c")
    nchunk = _ROWS_PER_W // _CHUNK
    base = wid * nchunk
    pltpu.sync_copy(idx_hbm.at[pl.ds(base, nchunk)], idx_v)
    descs = []
    for j in range(nchunk):
        descs.append(pltpu.async_copy(
            z_hbm.at[idx_v.at[j]],
            rows_v.at[pl.ds(j * _CHUNK, _CHUNK)], sem))
    for d in descs:
        d.wait()
    pltpu.sync_copy(rows_v, out_hbm.at[pl.ds(wid * _ROWS_PER_W, _ROWS_PER_W)])


def _sc_gather(z_flat, idx):
    idx2 = idx.reshape((B * K) // _CHUNK, _CHUNK)
    f = pl.kernel(
        _sc_gather_body,
        out_type=jax.ShapeDtypeStruct((B * K, Z), _F32),
        mesh=plsc.VectorSubcoreMesh(core_axis_name="c", subcore_axis_name="s"),
        scratch_types=[
            pltpu.VMEM((_ROWS_PER_W // _CHUNK, _CHUNK), _I32),
            pltpu.VMEM((_ROWS_PER_W, Z), _F32),
            pltpu.SemaphoreType.DMA,
        ],
    )
    return f(z_flat, idx2)


def kernel(path, rad, pW1, pb1, pW2, pb2, pW3, pb3, p_proxies, p_eps, p_decW,
           p_decb, rW1, rb1, rW2, rb2, rW3, rb3, r_proxies, r_eps, r_decW,
           r_decb):
    sig_p, zpn_p, dec_p, sig_r, zpn_r, dec_r = _proxy_call(
        p_proxies, p_eps, p_decW, p_decb, r_proxies, r_eps, r_decW, r_decb)
    mu_p = p_proxies[:, :Z]
    mu_r = r_proxies[:, :Z]

    def _zpn_glue(proxies, eps):
        mu = proxies[:, :Z]
        sg = jax.nn.softplus(proxies[:, Z:])
        zp = jnp.mean(mu[:, None, :] + sg[:, None, :] * eps, axis=1)
        n = jnp.sqrt(jnp.sum(zp * zp, axis=1, keepdims=True))
        return zp / jnp.maximum(n, 1e-12)

    zpn_px = _zpn_glue(p_proxies, p_eps)
    zpn_rx = _zpn_glue(r_proxies, r_eps)

    z, att_pn = _mlp_call(path, pW1, pb1, pW2, pb2, pW3, pb3, zpn_px)

    z_r, mu_topk_r, sigma_topk_r = _rad_call(
        rad.reshape(B, D), rW1, rb1, rW2, rb2, rW3, rb3, zpn_rx, mu_r, sig_r)

    sel2, mu_topk, sigma_topk = _select_call(att_pn, mu_p, sig_p)
    idx = _order_call(att_pn, sel2)

    z_topk = _sc_gather(z.reshape(B * N, Z), idx.reshape(B * K))
    z_topk = z_topk.reshape(B, K, Z)

    return (dec_p, mu_p, sig_p, z_topk, mu_topk, sigma_topk,
            dec_r, mu_r, sig_r, z_r.reshape(B, 1, Z), mu_topk_r, sigma_topk_r)

# --- scband reference (transcript-rebuilt; emitter-appended) ---
"""Pipeline reference for scband-pibd-39006892982410 (READ-ONLY COPY).

The authoritative reference and input builder live on the scoring server;
editing this copy changes nothing except your own understanding.
"""

import jax, jax.numpy as jnp
import numpy as np

Z = 256
P = 8
S = 50
TOPK_PATH = 256


def _normalize(x, axis):
    n = jnp.sqrt(jnp.sum(x * x, axis=axis, keepdims=True))
    return x / jnp.maximum(n, 1e-12)


def _pib(x, W1, b1, W2, b2, W3, b3, proxies, eps, decW, decb, topk):
    # encoder MLP (dropout = identity in eval)
    z = jax.nn.relu(x @ W1 + b1)
    z = jax.nn.relu(z @ W2 + b2)
    z = z @ W3 + b3  # [B, N, Z]
    mu_p = proxies[:, :Z]
    sig_p = jax.nn.softplus(proxies[:, Z:])
    zps = mu_p[:, None, :] + sig_p[:, None, :] * eps  # [P, S, Z]
    z_proxy = jnp.mean(zps, axis=1)  # [P, Z]
    zn = _normalize(z, 2)
    zpn = _normalize(z_proxy, 1)
    att = jnp.einsum('bnd,pd->bnp', zn, zpn)  # [B, N, P]
    B, N, Pp = att.shape
    # cat(unbind(att, dim=1), dim=1) == reshape to [B, N*P]
    att_u = att.reshape(B, N * Pp)
    if topk is not None:
        _, idx = jax.lax.top_k(att_u, topk)
        idx = idx % Pp
    else:
        _, idx = jax.lax.top_k(att_u, 1)
    # torch.mode over dim=1 -> per-row majority vote (first/smallest index on ties)
    counts = jnp.sum(jax.nn.one_hot(idx, Pp, dtype=jnp.int32), axis=1)  # [B, P]
    pos = jnp.argmax(counts, axis=1)  # [B]
    mu_topk = mu_p[pos]
    sigma_topk = sig_p[pos]
    if topk is not None:
        # cat(unbind(att, dim=2), dim=1) == transpose then reshape to [B, P*N]
        att_u2 = jnp.transpose(att, (0, 2, 1)).reshape(B, Pp * N)
        _, idx2 = jax.lax.top_k(att_u2, topk)
        idx2 = idx2 % N
        z_topk = jnp.take_along_axis(z, idx2[:, :, None], axis=1)  # [B, topk, Z]
    else:
        z_topk = z
    dec_logits = jnp.mean(zps @ decW + decb, axis=1)  # [P, num_classes]
    return (dec_logits, mu_p, sig_p, z_topk, mu_topk, sigma_topk)


def setup_inputs(seed: int = 0):
    key = jax.random.key(seed)
    ks = jax.random.split(key, 24)
    B, BAG, D = 32, 512, 512

    def lin(k, fin, fout):
        return jax.random.normal(k, (fin, fout), dtype=jnp.float32) * (1.0 / np.sqrt(fin))

    inp = {}
    inp['path'] = jax.random.normal(ks[0], (B, BAG, D), dtype=jnp.float32)
    inp['rad'] = jax.random.normal(ks[1], (B, 1, D), dtype=jnp.float32)
    # PIB_path params (x_dim=512, z_dim=256)
    inp['pW1'] = lin(ks[2], D, 2 * Z)
    inp['pb1'] = jnp.zeros((2 * Z,), jnp.float32)
    inp['pW2'] = lin(ks[3], 2 * Z, 2 * Z)
    inp['pb2'] = jnp.zeros((2 * Z,), jnp.float32)
    inp['pW3'] = lin(ks[4], 2 * Z, Z)
    inp['pb3'] = jnp.zeros((Z,), jnp.float32)
    inp['p_proxies'] = jax.random.normal(ks[5], (P, 2 * Z), dtype=jnp.float32) * 0.06
    inp['p_eps'] = jax.random.normal(ks[6], (P, S, Z), dtype=jnp.float32)
    inp['p_decW'] = lin(ks[7], Z, 4)
    inp['p_decb'] = jnp.zeros((4,), jnp.float32)
    # PIB_rad params (x_dim=512, z_dim=256)
    inp['rW1'] = lin(ks[8], D, 2 * Z)
    inp['rb1'] = jnp.zeros((2 * Z,), jnp.float32)
    inp['rW2'] = lin(ks[9], 2 * Z, 2 * Z)
    inp['rb2'] = jnp.zeros((2 * Z,), jnp.float32)
    inp['rW3'] = lin(ks[10], 2 * Z, Z)
    inp['rb3'] = jnp.zeros((Z,), jnp.float32)
    inp['r_proxies'] = jax.random.normal(ks[11], (P, 2 * Z), dtype=jnp.float32) * 0.06
    inp['r_eps'] = jax.random.normal(ks[12], (P, S, Z), dtype=jnp.float32)
    inp['r_decW'] = lin(ks[13], Z, 4)
    inp['r_decb'] = jnp.zeros((4,), jnp.float32)
    return inp


def reference(path, rad, pW1, pb1, pW2, pb2, pW3, pb3, p_proxies, p_eps, p_decW, p_decb,
              rW1, rb1, rW2, rb2, rW3, rb3, r_proxies, r_eps, r_decW, r_decb):
    p_out = _pib(path, pW1, pb1, pW2, pb2, pW3, pb3, p_proxies, p_eps, p_decW, p_decb, TOPK_PATH)
    r_out = _pib(rad, rW1, rb1, rW2, rb2, rW3, rb3, r_proxies, r_eps, r_decW, r_decb, None)
    return p_out + r_out

if __name__ == "__main__":
    import jax
    _d = setup_inputs()
    print(jax.jit(kernel)(*tuple(_d.values())))

</pallas_src>

<mosaic_0001>
#map = affine_map<(d0, d1) -> (0, 0)>
module attributes {stable_mosaic.version = 14 : i64} {
  func.func @_sc_gather_body(%arg0: i32, %arg1: i32, %arg2: memref<16384x256xf32, #tpu.memory_space<hbm>>, %arg3: memref<64x128xi32, #tpu.memory_space<hbm>>, %arg4: memref<8192x256xf32, #tpu.memory_space<hbm>>, %arg5: memref<2x128xi32, #tpu.memory_space<vmem>>, %arg6: memref<256x256xf32, #tpu.memory_space<vmem>>, %arg7: memref<!tpu.dma_semaphore, #tpu.memory_space<semaphore_mem>>) attributes {dimension_semantics = [#tpu.dimension_semantics<core_parallel>, #tpu.dimension_semantics<subcore_parallel>], iteration_bounds = array<i64: 2, 16>, scalar_prefetch = 0 : i64, scratch_operands = 3 : i64, tpu.core_type = #tpu.core_type<sc_vector_subcore>, window_params = [{transform_indices = #map}, {transform_indices = #map}, {transform_indices = #map}]} {
    %mul3A = arith.constant 2 : i32
    %mul3A_0 = arith.muli %arg1, %mul3A : i32
    %add3A = arith.addi %mul3A_0, %arg0 : i32
    %mul3A_1 = arith.constant 2 : i32
    %mul3A_2 = arith.muli %add3A, %mul3A_1 : i32
    "tpu.region"() ({
      %run_scoped3A = tpu.sem_alloc : memref<!tpu.dma_semaphore, #tpu.memory_space<semaphore_mem>>
      %dma_start3A_43 = arith.constant 0 : i32
      %dma_start3A_44 = tpu.memref_slice %arg3[%mul3A_2, %dma_start3A_43] : memref<64x128xi32, #tpu.memory_space<hbm>> -> memref<2x128xi32, #tpu.memory_space<hbm>>
      %dma_start3A_45 = arith.constant 0 : i32
      %dma_start3A_46 = tpu.memref_slice %arg3[%mul3A_2, %dma_start3A_45] : memref<64x128xi32, #tpu.memory_space<hbm>> -> memref<2x128xi32, #tpu.memory_space<hbm>>
      tpu.enqueue_dma source(%dma_start3A_46 : memref<2x128xi32, #tpu.memory_space<hbm>>) target(%arg5 : memref<2x128xi32, #tpu.memory_space<vmem>>) target_semaphore(%run_scoped3A : memref<!tpu.dma_semaphore, #tpu.memory_space<semaphore_mem>>)
      %dma_wait3A_47 = arith.constant 0 : i32
      %dma_wait3A_48 = tpu.memref_slice %arg3[%mul3A_2, %dma_wait3A_47] : memref<64x128xi32, #tpu.memory_space<hbm>> -> memref<2x128xi32, #tpu.memory_space<hbm>>
      %dma_wait3A_49 = arith.constant 0 : i32
      %dma_wait3A_50 = tpu.memref_slice %arg3[%mul3A_2, %dma_wait3A_49] : memref<64x128xi32, #tpu.memory_space<hbm>> -> memref<2x128xi32, #tpu.memory_space<hbm>>
      tpu.wait_dma2 semaphore(%run_scoped3A : memref<!tpu.dma_semaphore, #tpu.memory_space<semaphore_mem>>) src(%dma_wait3A_50 : memref<2x128xi32, #tpu.memory_space<hbm>>) dst(%arg5 : memref<2x128xi32, #tpu.memory_space<vmem>>)
      tpu.yield
    }) : () -> ()
    %dma_start3A = arith.constant 0 : i32
    %dma_start3A_3 = arith.constant 0 : i32
    %dma_start3A_4 = arith.constant 0 : i32
    %dma_start3A_5 = tpu.memref_slice %arg6[%dma_start3A_3, %dma_start3A_4] : memref<256x256xf32, #tpu.memory_space<vmem>> -> memref<128x256xf32, #tpu.memory_space<vmem>>
    %dma_start3A_6 = arith.constant 0 : i32
    %dma_start3A_7 = tpu.memref_slice %arg5[%dma_start3A, %dma_start3A_6] : memref<2x128xi32, #tpu.memory_space<vmem>> -> memref<1x128xi32, #tpu.memory_space<vmem>>
    %dma_start3A_8 = tpu.memref_squeeze %dma_start3A_7 : memref<1x128xi32, #tpu.memory_space<vmem>> -> memref<128xi32, #tpu.memory_space<vmem>>
    %dma_start3A_9 = arith.constant 0 : i32
    %dma_start3A_10 = arith.constant 0 : i32
    %dma_start3A_11 = tpu.memref_slice %arg2[%dma_start3A_9, %dma_start3A_10] : memref<16384x256xf32, #tpu.memory_space<hbm>> -> memref<16384x256xf32, #tpu.memory_space<hbm>>
    tpu.enqueue_indirect_dma source(%dma_start3A_11 : memref<16384x256xf32, #tpu.memory_space<hbm>>) target(%dma_start3A_5 : memref<128x256xf32, #tpu.memory_space<vmem>>) offsets(%dma_start3A_8 : memref<128xi32, #tpu.memory_space<vmem>>) semaphore(%arg7 : memref<!tpu.dma_semaphore, #tpu.memory_space<semaphore_mem>>)
    %dma_start3A_12 = arith.constant 1 : i32
    %dma_start3A_13 = arith.constant 128 : i32
    %dma_start3A_14 = arith.constant 0 : i32
    %dma_start3A_15 = tpu.memref_slice %arg6[%dma_start3A_13, %dma_start3A_14] : memref<256x256xf32, #tpu.memory_space<vmem>> -> memref<128x256xf32, #tpu.memory_space<vmem>>
    %dma_start3A_16 = arith.constant 0 : i32
    %dma_start3A_17 = tpu.memref_slice %arg5[%dma_start3A_12, %dma_start3A_16] : memref<2x128xi32, #tpu.memory_space<vmem>> -> memref<1x128xi32, #tpu.memory_space<vmem>>
    %dma_start3A_18 = tpu.memref_squeeze %dma_start3A_17 : memref<1x128xi32, #tpu.memory_space<vmem>> -> memref<128xi32, #tpu.memory_space<vmem>>
    %dma_start3A_19 = arith.constant 0 : i32
    %dma_start3A_20 = arith.constant 0 : i32
    %dma_start3A_21 = tpu.memref_slice %arg2[%dma_start3A_19, %dma_start3A_20] : memref<16384x256xf32, #tpu.memory_space<hbm>> -> memref<16384x256xf32, #tpu.memory_space<hbm>>
    tpu.enqueue_indirect_dma source(%dma_start3A_21 : memref<16384x256xf32, #tpu.memory_space<hbm>>) target(%dma_start3A_15 : memref<128x256xf32, #tpu.memory_space<vmem>>) offsets(%dma_start3A_18 : memref<128xi32, #tpu.memory_space<vmem>>) semaphore(%arg7 : memref<!tpu.dma_semaphore, #tpu.memory_space<semaphore_mem>>)
    %dma_wait3A = arith.constant 0 : i32
    %dma_wait3A_22 = arith.constant 0 : i32
    %dma_wait3A_23 = arith.constant 0 : i32
    %dma_wait3A_24 = tpu.memref_slice %arg6[%dma_wait3A_22, %dma_wait3A_23] : memref<256x256xf32, #tpu.memory_space<vmem>> -> memref<128x256xf32, #tpu.memory_space<vmem>>
    %dma_wait3A_25 = arith.constant 0 : i32
    %dma_wait3A_26 = tpu.memref_slice %arg5[%dma_wait3A, %dma_wait3A_25] : memref<2x128xi32, #tpu.memory_space<vmem>> -> memref<1x128xi32, #tpu.memory_space<vmem>>
    %dma_wait3A_27 = tpu.memref_squeeze %dma_wait3A_26 : memref<1x128xi32, #tpu.memory_space<vmem>> -> memref<128xi32, #tpu.memory_space<vmem>>
    %dma_wait3A_28 = arith.constant 0 : i32
    %dma_wait3A_29 = arith.constant 0 : i32
    %dma_wait3A_30 = tpu.memref_slice %arg2[%dma_wait3A_28, %dma_wait3A_29] : memref<16384x256xf32, #tpu.memory_space<hbm>> -> memref<16384x256xf32, #tpu.memory_space<hbm>>
    tpu.wait_indirect_dma semaphore(%arg7 : memref<!tpu.dma_semaphore, #tpu.memory_space<semaphore_mem>>) src(%dma_wait3A_30 : memref<16384x256xf32, #tpu.memory_space<hbm>>) dst(%dma_wait3A_24 : memref<128x256xf32, #tpu.memory_space<vmem>>)
    %dma_wait3A_31 = arith.constant 1 : i32
    %dma_wait3A_32 = arith.constant 128 : i32
    %dma_wait3A_33 = arith.constant 0 : i32
    %dma_wait3A_34 = tpu.memref_slice %arg6[%dma_wait3A_32, %dma_wait3A_33] : memref<256x256xf32, #tpu.memory_space<vmem>> -> memref<128x256xf32, #tpu.memory_space<vmem>>
    %dma_wait3A_35 = arith.constant 0 : i32
    %dma_wait3A_36 = tpu.memref_slice %arg5[%dma_wait3A_31, %dma_wait3A_35] : memref<2x128xi32, #tpu.memory_space<vmem>> -> memref<1x128xi32, #tpu.memory_space<vmem>>
    %dma_wait3A_37 = tpu.memref_squeeze %dma_wait3A_36 : memref<1x128xi32, #tpu.memory_space<vmem>> -> memref<128xi32, #tpu.memory_space<vmem>>
    %dma_wait3A_38 = arith.constant 0 : i32
    %dma_wait3A_39 = arith.constant 0 : i32
    %dma_wait3A_40 = tpu.memref_slice %arg2[%dma_wait3A_38, %dma_wait3A_39] : memref<16384x256xf32, #tpu.memory_space<hbm>> -> memref<16384x256xf32, #tpu.memory_space<hbm>>
    tpu.wait_indirect_dma semaphore(%arg7 : memref<!tpu.dma_semaphore, #tpu.memory_space<semaphore_mem>>) src(%dma_wait3A_40 : memref<16384x256xf32, #tpu.memory_space<hbm>>) dst(%dma_wait3A_34 : memref<128x256xf32, #tpu.memory_space<vmem>>)
    %mul3A_41 = arith.constant 256 : i32
    %mul3A_42 = arith.muli %add3A, %mul3A_41 : i32
    "tpu.region"() ({
      %run_scoped3A = tpu.sem_alloc : memref<!tpu.dma_semaphore, #tpu.memory_space<semaphore_mem>>
      %dma_start3A_43 = arith.constant 0 : i32
      %dma_start3A_44 = tpu.memref_slice %arg4[%mul3A_42, %dma_start3A_43] : memref<8192x256xf32, #tpu.memory_space<hbm>> -> memref<256x256xf32, #tpu.memory_space<hbm>>
      %dma_start3A_45 = arith.constant 0 : i32
      %dma_start3A_46 = tpu.memref_slice %arg4[%mul3A_42, %dma_start3A_45] : memref<8192x256xf32, #tpu.memory_space<hbm>> -> memref<256x256xf32, #tpu.memory_space<hbm>>
      tpu.enqueue_dma source(%arg6 : memref<256x256xf32, #tpu.memory_space<vmem>>) target(%dma_start3A_46 : memref<256x256xf32, #tpu.memory_space<hbm>>) target_semaphore(%run_scoped3A : memref<!tpu.dma_semaphore, #tpu.memory_space<semaphore_mem>>)
      %dma_wait3A_47 = arith.constant 0 : i32
      %dma_wait3A_48 = tpu.memref_slice %arg4[%mul3A_42, %dma_wait3A_47] : memref<8192x256xf32, #tpu.memory_space<hbm>> -> memref<256x256xf32, #tpu.memory_space<hbm>>
      %dma_wait3A_49 = arith.constant 0 : i32
      %dma_wait3A_50 = tpu.memref_slice %arg4[%mul3A_42, %dma_wait3A_49] : memref<8192x256xf32, #tpu.memory_space<hbm>> -> memref<256x256xf32, #tpu.memory_space<hbm>>
      tpu.wait_dma2 semaphore(%run_scoped3A : memref<!tpu.dma_semaphore, #tpu.memory_space<semaphore_mem>>) src(%arg6 : memref<256x256xf32, #tpu.memory_space<vmem>>) dst(%dma_wait3A_50 : memref<256x256xf32, #tpu.memory_space<hbm>>)
      tpu.yield
    }) : () -> ()
    return
  }
}

module attributes {stable_mosaic.version = 14 : i64} {
  func.func @_order_body(%arg0: i32, %arg1: memref<4x8x512xf32, #tpu.memory_space<vmem>>, %arg2: memref<4x8x512xf32, #tpu.memory_space<vmem>>, %arg3: memref<4x1x256xi32, #tpu.memory_space<vmem>>) attributes {dimension_semantics = [#tpu.dimension_semantics<arbitrary>], iteration_bounds = array<i64: 8>, scalar_prefetch = 0 : i64, scratch_operands = 0 : i64, tpu.core_type = #tpu.core_type<tc>, window_params = [{transform_indices = @transform_0, window_bounds = array<i64: 4, 8, 512>}, {transform_indices = @transform_1, window_bounds = array<i64: 4, 8, 512>}, {transform_indices = @transform_2, window_bounds = array<i64: 4, 1, 256>}]} {
    %get3A = arith.constant 0 : index
    %get3A_0 = arith.constant 0 : index
    %get3A_1 = arith.constant 0 : index
    %get3A_2 = vector.load %arg1[%get3A, %get3A_0, %get3A_1] : memref<4x8x512xf32, #tpu.memory_space<vmem>>, vector<4x8x512xf32>
    %get3A_3 = arith.constant 0 : index
    %get3A_4 = arith.constant 0 : index
    %get3A_5 = arith.constant 0 : index
    %get3A_6 = vector.load %arg2[%get3A_3, %get3A_4, %get3A_5] : memref<4x8x512xf32, #tpu.memory_space<vmem>>, vector<4x8x512xf32>
    %iota3A = tpu.iota {dimensions = array<i32: 0>} : vector<512x512xi32>
    %iota3A_7 = tpu.iota {dimensions = array<i32: 1>} : vector<512x512xi32>
    %lt3A = arith.cmpi slt, %iota3A, %iota3A_7 : vector<512x512xi32>
    %convert_element_type3A = arith.extui %lt3A : vector<512x512xi1> to vector<512x512xi32>
    %convert_element_type3A_8 = arith.sitofp %convert_element_type3A : vector<512x512xi32> to vector<512x512xf32>
    %dot_general3A = arith.constant dense<0.000000e+00> : vector<4x8x512xf32>
    %dot_general3A_9 = tpu.matmul %get3A_6, %convert_element_type3A_8, %dot_general3A {dimension_numbers = #tpu.dot_dimension_numbers<[2], [0], [0, 1], [1], [0, 0, 0, 1, 1, 1], [], []>, transpose_lhs_hint = false} : vector<4x8x512xf32>, vector<512x512xf32>, vector<4x8x512xf32> -> vector<4x8x512xf32>
    %reduce_sum3A = arith.constant dense<0.000000e+00> : vector<4x8xf32>
    %reduce_sum3A_10 = vector.multi_reduction <add>, %get3A_6, %reduce_sum3A [2] : vector<4x8x512xf32> to vector<4x8xf32>
    %iota3A_11 = tpu.iota {dimensions = array<i32: 0>} : vector<8x8xi32>
    %iota3A_12 = tpu.iota {dimensions = array<i32: 1>} : vector<8x8xi32>
    %lt3A_13 = arith.cmpi slt, %iota3A_11, %iota3A_12 : vector<8x8xi32>
    %convert_element_type3A_14 = arith.extui %lt3A_13 : vector<8x8xi1> to vector<8x8xi32>
    %convert_element_type3A_15 = arith.sitofp %convert_element_type3A_14 : vector<8x8xi32> to vector<8x8xf32>
    %dot_general3A_16 = arith.constant dense<0.000000e+00> : vector<4x8xf32>
    %dot_general3A_17 = tpu.matmul %reduce_sum3A_10, %convert_element_type3A_15, %dot_general3A_16 {dimension_numbers = #tpu.dot_dimension_numbers<[1], [0], [0], [1], [0, 0, 1, 1], [], []>, transpose_lhs_hint = false} : vector<4x8xf32>, vector<8x8xf32>, vector<4x8xf32> -> vector<4x8xf32>
    %broadcast_in_dim3A = vector.shape_cast %dot_general3A_17 : vector<4x8xf32> to vector<4x8x1xf32>
    %add3A = vector.broadcast %broadcast_in_dim3A : vector<4x8x1xf32> to vector<4x8x512xf32>
    %add3A_18 = arith.addf %dot_general3A_9, %add3A : vector<4x8x512xf32>
    %gt3A = arith.constant 0.000000e+00 : f32
    %gt3A_19 = vector.broadcast %gt3A : f32 to vector<4x8x512xf32>
    %gt3A_20 = arith.cmpf ogt, %get3A_6, %gt3A_19 : vector<4x8x512xf32>
    %jit3A = arith.constant 5.120000e+02 : f32
    %broadcast_in_dim3A_21 = vector.broadcast %jit3A : f32 to vector<4x8x512xf32>
    %select_n3A = arith.select %gt3A_20, %add3A_18, %broadcast_in_dim3A_21 : vector<4x8x512xi1>, vector<4x8x512xf32>
    %iota3A_22 = tpu.iota {dimensions = array<i32: 2>} : vector<1x1x512xi32>
    %convert_element_type3A_23 = arith.sitofp %iota3A_22 : vector<1x1x512xi32> to vector<1x1x512xf32>
    %iota3A_24 = tpu.iota {dimensions = array<i32: 1>} : vector<1x256x1xi32>
    %convert_element_type3A_25 = arith.sitofp %iota3A_24 : vector<1x256x1xi32> to vector<1x256x1xf32>
    %broadcast_in_dim3A_26 = arith.constant 0.000000e+00 : f32
    %broadcast_in_dim3A_27 = vector.broadcast %broadcast_in_dim3A_26 : f32 to vector<4x256x1xf32>
    %broadcast_in_dim3A_28 = arith.constant 0.000000e+00 : f32
    %broadcast_in_dim3A_29 = vector.broadcast %broadcast_in_dim3A_28 : f32 to vector<4x256x1xf32>
    %slice3A = vector.extract_strided_slice %select_n3A {offsets = [0, 0, 0], sizes = [4, 1, 512], strides = [1, 1, 1]} : vector<4x8x512xf32> to vector<4x1x512xf32>
    %eq3A = vector.broadcast %convert_element_type3A_25 : vector<1x256x1xf32> to vector<4x256x512xf32>
    %eq3A_30 = vector.broadcast %slice3A : vector<4x1x512xf32> to vector<4x256x512xf32>
    %eq3A_31 = arith.cmpf oeq, %eq3A, %eq3A_30 : vector<4x256x512xf32>
    %slice3A_32 = vector.extract_strided_slice %get3A_2 {offsets = [0, 0, 0], sizes = [4, 1, 512], strides = [1, 1, 1]} : vector<4x8x512xf32> to vector<4x1x512xf32>
    %jit3A_33 = arith.constant 0.000000e+00 : f32
    %broadcast_in_dim3A_34 = vector.shape_cast %slice3A_32 : vector<4x1x512xf32> to vector<4x1x512xf32>
    %broadcast_in_dim3A_35 = vector.broadcast %broadcast_in_dim3A_34 : vector<4x1x512xf32> to vector<4x256x512xf32>
    %broadcast_in_dim3A_36 = vector.broadcast %jit3A_33 : f32 to vector<4x256x512xf32>
    %select_n3A_37 = arith.select %eq3A_31, %broadcast_in_dim3A_35, %broadcast_in_dim3A_36 : vector<4x256x512xi1>, vector<4x256x512xf32>
    %reduce_sum3A_38 = arith.constant dense<0.000000e+00> : vector<4x256xf32>
    %reduce_sum3A_39 = vector.multi_reduction <add>, %select_n3A_37, %reduce_sum3A_38 [2] : vector<4x256x512xf32> to vector<4x256xf32>
    %broadcast_in_dim3A_40 = vector.shape_cast %reduce_sum3A_39 : vector<4x256xf32> to vector<4x256x1xf32>
    %add3A_41 = arith.addf %broadcast_in_dim3A_27, %broadcast_in_dim3A_40 : vector<4x256x1xf32>
    %jit3A_42 = arith.constant 0.000000e+00 : f32
    %broadcast_in_dim3A_43 = vector.shape_cast %convert_element_type3A_23 : vector<1x1x512xf32> to vector<1x1x512xf32>
    %broadcast_in_dim3A_44 = vector.broadcast %broadcast_in_dim3A_43 : vector<1x1x512xf32> to vector<4x256x512xf32>
    %broadcast_in_dim3A_45 = vector.broadcast %jit3A_42 : f32 to vector<4x256x512xf32>
    %select_n3A_46 = arith.select %eq3A_31, %broadcast_in_dim3A_44, %broadcast_in_dim3A_45 : vector<4x256x512xi1>, vector<4x256x512xf32>
    %reduce_sum3A_47 = arith.constant dense<0.000000e+00> : vector<4x256xf32>
    %reduce_sum3A_48 = vector.multi_reduction <add>, %select_n3A_46, %reduce_sum3A_47 [2] : vector<4x256x512xf32> to vector<4x256xf32>
    %broadcast_in_dim3A_49 = vector.shape_cast %reduce_sum3A_48 : vector<4x256xf32> to vector<4x256x1xf32>
    %add3A_50 = arith.addf %broadcast_in_dim3A_29, %broadcast_in_dim3A_49 : vector<4x256x1xf32>
    %slice3A_51 = vector.extract_strided_slice %select_n3A {offsets = [0, 1, 0], sizes = [4, 1, 512], strides = [1, 1, 1]} : vector<4x8x512xf32> to vector<4x1x512xf32>
    %eq3A_52 = vector.broadcast %convert_element_type3A_25 : vector<1x256x1xf32> to vector<4x256x512xf32>
    %eq3A_53 = vector.broadcast %slice3A_51 : vector<4x1x512xf32> to vector<4x256x512xf32>
    %eq3A_54 = arith.cmpf oeq, %eq3A_52, %eq3A_53 : vector<4x256x512xf32>
    %slice3A_55 = vector.extract_strided_slice %get3A_2 {offsets = [0, 1, 0], sizes = [4, 1, 512], strides = [1, 1, 1]} : vector<4x8x512xf32> to vector<4x1x512xf32>
    %jit3A_56 = arith.constant 0.000000e+00 : f32
    %broadcast_in_dim3A_57 = vector.shape_cast %slice3A_55 : vector<4x1x512xf32> to vector<4x1x512xf32>
    %broadcast_in_dim3A_58 = vector.broadcast %broadcast_in_dim3A_57 : vector<4x1x512xf32> to vector<4x256x512xf32>
    %broadcast_in_dim3A_59 = vector.broadcast %jit3A_56 : f32 to vector<4x256x512xf32>
    %select_n3A_60 = arith.select %eq3A_54, %broadcast_in_dim3A_58, %broadcast_in_dim3A_59 : vector<4x256x512xi1>, vector<4x256x512xf32>
    %reduce_sum3A_61 = arith.constant dense<0.000000e+00> : vector<4x256xf32>
    %reduce_sum3A_62 = vector.multi_reduction <add>, %select_n3A_60, %reduce_sum3A_61 [2] : vector<4x256x512xf32> to vector<4x256xf32>
    %broadcast_in_dim3A_63 = vector.shape_cast %reduce_sum3A_62 : vector<4x256xf32> to vector<4x256x1xf32>
    %add3A_64 = arith.addf %add3A_41, %broadcast_in_dim3A_63 : vector<4x256x1xf32>
    %jit3A_65 = arith.constant 0.000000e+00 : f32
    %broadcast_in_dim3A_66 = vector.shape_cast %convert_element_type3A_23 : vector<1x1x512xf32> to vector<1x1x512xf32>
    %broadcast_in_dim3A_67 = vector.broadcast %broadcast_in_dim3A_66 : vector<1x1x512xf32> to vector<4x256x512xf32>
    %broadcast_in_dim3A_68 = vector.broadcast %jit3A_65 : f32 to vector<4x256x512xf32>
    %select_n3A_69 = arith.select %eq3A_54, %broadcast_in_dim3A_67, %broadcast_in_dim3A_68 : vector<4x256x512xi1>, vector<4x256x512xf32>
    %reduce_sum3A_70 = arith.constant dense<0.000000e+00> : vector<4x256xf32>
    %reduce_sum3A_71 = vector.multi_reduction <add>, %select_n3A_69, %reduce_sum3A_70 [2] : vector<4x256x512xf32> to vector<4x256xf32>
    %broadcast_in_dim3A_72 = vector.shape_cast %reduce_sum3A_71 : vector<4x256xf32> to vector<4x256x1xf32>
    %add3A_73 = arith.addf %add3A_50, %broadcast_in_dim3A_72 : vector<4x256x1xf32>
    %slice3A_74 = vector.extract_strided_slice %select_n3A {offsets = [0, 2, 0], sizes = [4, 1, 512], strides = [1, 1, 1]} : vector<4x8x512xf32> to vector<4x1x512xf32>
    %eq3A_75 = vector.broadcast %convert_element_type3A_25 : vector<1x256x1xf32> to vector<4x256x512xf32>
    %eq3A_76 = vector.broadcast %slice3A_74 : vector<4x1x512xf32> to vector<4x256x512xf32>
    %eq3A_77 = arith.cmpf oeq, %eq3A_75, %eq3A_76 : vector<4x256x512xf32>
    %slice3A_78 = vector.extract_strided_slice %get3A_2 {offsets = [0, 2, 0], sizes = [4, 1, 512], strides = [1, 1, 1]} : vector<4x8x512xf32> to vector<4x1x512xf32>
    %jit3A_79 = arith.constant 0.000000e+00 : f32
    %broadcast_in_dim3A_80 = vector.shape_cast %slice3A_78 : vector<4x1x512xf32> to vector<4x1x512xf32>
    %broadcast_in_dim3A_81 = vector.broadcast %broadcast_in_dim3A_80 : vector<4x1x512xf32> to vector<4x256x512xf32>
    %broadcast_in_dim3A_82 = vector.broadcast %jit3A_79 : f32 to vector<4x256x512xf32>
    %select_n3A_83 = arith.select %eq3A_77, %broadcast_in_dim3A_81, %broadcast_in_dim3A_82 : vector<4x256x512xi1>, vector<4x256x512xf32>
    %reduce_sum3A_84 = arith.constant dense<0.000000e+00> : vector<4x256xf32>
    %reduce_sum3A_85 = vector.multi_reduction <add>, %select_n3A_83, %reduce_sum3A_84 [2] : vector<4x256x512xf32> to vector<4x256xf32>
    %broadcast_in_dim3A_86 = vector.shape_cast %reduce_sum3A_85 : vector<4x256xf32> to vector<4x256x1xf32>
    %add3A_87 = arith.addf %add3A_64, %broadcast_in_dim3A_86 : vector<4x256x1xf32>
    %jit3A_88 = arith.constant 0.000000e+00 : f32
    %broadcast_in_dim3A_89 = vector.shape_cast %convert_element_type3A_23 : vector<1x1x512xf32> to vector<1x1x512xf32>
    %broadcast_in_dim3A_90 = vector.broadcast %broadcast_in_dim3A_89 : vector<1x1x512xf32> to vector<4x256x512xf32>
    %broadcast_in_dim3A_91 = vector.broadcast %jit3A_88 : f32 to vector<4x256x512xf32>
    %select_n3A_92 = arith.select %eq3A_77, %broadcast_in_dim3A_90, %broadcast_in_dim3A_91 : vector<4x256x512xi1>, vector<4x256x512xf32>
    %reduce_sum3A_93 = arith.constant dense<0.000000e+00> : vector<4x256xf32>
    %reduce_sum3A_94 = vector.multi_reduction <add>, %select_n3A_92, %reduce_sum3A_93 [2] : vector<4x256x512xf32> to vector<4x256xf32>
    %broadcast_in_dim3A_95 = vector.shape_cast %reduce_sum3A_94 : vector<4x256xf32> to vector<4x256x1xf32>
    %add3A_96 = arith.addf %add3A_73, %broadcast_in_dim3A_95 : vector<4x256x1xf32>
    %slice3A_97 = vector.extract_strided_slice %select_n3A {offsets = [0, 3, 0], sizes = [4, 1, 512], strides = [1, 1, 1]} : vector<4x8x512xf32> to vector<4x1x512xf32>
    %eq3A_98 = vector.broadcast %convert_element_type3A_25 : vector<1x256x1xf32> to vector<4x256x512xf32>
    %eq3A_99 = vector.broadcast %slice3A_97 : vector<4x1x512xf32> to vector<4x256x512xf32>
    %eq3A_100 = arith.cmpf oeq, %eq3A_98, %eq3A_99 : vector<4x256x512xf32>
    %slice3A_101 = vector.extract_strided_slice %get3A_2 {offsets = [0, 3, 0], sizes = [4, 1, 512], strides = [1, 1, 1]} : vector<4x8x512xf32> to vector<4x1x512xf32>
    %jit3A_102 = arith.constant 0.000000e+00 : f32
    %broadcast_in_dim3A_103 = vector.shape_cast %slice3A_101 : vector<4x1x512xf32> to vector<4x1x512xf32>
    %broadcast_in_dim3A_104 = vector.broadcast %broadcast_in_dim3A_103 : vector<4x1x512xf32> to vector<4x256x512xf32>
    %broadcast_in_dim3A_105 = vector.broadcast %jit3A_102 : f32 to vector<4x256x512xf32>
    %select_n3A_106 = arith.select %eq3A_100, %broadcast_in_dim3A_104, %broadcast_in_dim3A_105 : vector<4x256x512xi1>, vector<4x256x512xf32>
    %reduce_sum3A_107 = arith.constant dense<0.000000e+00> : vector<4x256xf32>
    %reduce_sum3A_108 = vector.multi_reduction <add>, %select_n3A_106, %reduce_sum3A_107 [2] : vector<4x256x512xf32> to vector<4x256xf32>
    %broadcast_in_dim3A_109 = vector.shape_cast %reduce_sum3A_108 : vector<4x256xf32> to vector<4x256x1xf32>
    %add3A_110 = arith.addf %add3A_87, %broadcast_in_dim3A_109 : vector<4x256x1xf32>
    %jit3A_111 = arith.constant 0.000000e+00 : f32
    %broadcast_in_dim3A_112 = vector.shape_cast %convert_element_type3A_23 : vector<1x1x512xf32> to vector<1x1x512xf32>
    %broadcast_in_dim3A_113 = vector.broadcast %broadcast_in_dim3A_112 : vector<1x1x512xf32> to vector<4x256x512xf32>
    %broadcast_in_dim3A_114 = vector.broadcast %jit3A_111 : f32 to vector<4x256x512xf32>
    %select_n3A_115 = arith.select %eq3A_100, %broadcast_in_dim3A_113, %broadcast_in_dim3A_114 : vector<4x256x512xi1>, vector<4x256x512xf32>
    %reduce_sum3A_116 = arith.constant dense<0.000000e+00> : vector<4x256xf32>
    %reduce_sum3A_117 = vector.multi_reduction <add>, %select_n3A_115, %reduce_sum3A_116 [2] : vector<4x256x512xf32> to vector<4x256xf32>
    %broadcast_in_dim3A_118 = vector.shape_cast %reduce_sum3A_117 : vector<4x256xf32> to vector<4x256x1xf32>
    %add3A_119 = arith.addf %add3A_96, %broadcast_in_dim3A_118 : vector<4x256x1xf32>
    %slice3A_120 = vector.extract_strided_slice %select_n3A {offsets = [0, 4, 0], sizes = [4, 1, 512], strides = [1, 1, 1]} : vector<4x8x512xf32> to vector<4x1x512xf32>
    %eq3A_121 = vector.broadcast %convert_element_type3A_25 : vector<1x256x1xf32> to vector<4x256x512xf32>
    %eq3A_122 = vector.broadcast %slice3A_120 : vector<4x1x512xf32> to vector<4x256x512xf32>
    %eq3A_123 = arith.cmpf oeq, %eq3A_121, %eq3A_122 : vector<4x256x512xf32>
    %slice3A_124 = vector.extract_strided_slice %get3A_2 {offsets = [0, 4, 0], sizes = [4, 1, 512], strides = [1, 1, 1]} : vector<4x8x512xf32> to vector<4x1x512xf32>
    %jit3A_125 = arith.constant 0.000000e+00 : f32
    %broadcast_in_dim3A_126 = vector.shape_cast %slice3A_124 : vector<4x1x512xf32> to vector<4x1x512xf32>
    %broadcast_in_dim3A_127 = vector.broadcast %broadcast_in_dim3A_126 : vector<4x1x512xf32> to vector<4x256x512xf32>
    %broadcast_in_dim3A_128 = vector.broadcast %jit3A_125 : f32 to vector<4x256x512xf32>
    %select_n3A_129 = arith.select %eq3A_123, %broadcast_in_dim3A_127, %broadcast_in_dim3A_128 : vector<4x256x512xi1>, vector<4x256x512xf32>
    %reduce_sum3A_130 = arith.constant dense<0.000000e+00> : vector<4x256xf32>
    %reduce_sum3A_131 = vector.multi_reduction <add>, %select_n3A_129, %reduce_sum3A_130 [2] : vector<4x256x512xf32> to vector<4x256xf32>
    %broadcast_in_dim3A_132 = vector.shape_cast %reduce_sum3A_131 : vector<4x256xf32> to vector<4x256x1xf32>
    %add3A_133 = arith.addf %add3A_110, %broadcast_in_dim3A_132 : vector<4x256x1xf32>
    %jit3A_134 = arith.constant 0.000000e+00 : f32
    %broadcast_in_dim3A_135 = vector.shape_cast %convert_element_type3A_23 : vector<1x1x512xf32> to vector<1x1x512xf32>
    %broadcast_in_dim3A_136 = vector.broadcast %broadcast_in_dim3A_135 : vector<1x1x512xf32> to vector<4x256x512xf32>
    %broadcast_in_dim3A_137 = vector.broadcast %jit3A_134 : f32 to vector<4x256x512xf32>
    %select_n3A_138 = arith.select %eq3A_123, %broadcast_in_dim3A_136, %broadcast_in_dim3A_137 : vector<4x256x512xi1>, vector<4x256x512xf32>
    %reduce_sum3A_139 = arith.constant dense<0.000000e+00> : vector<4x256xf32>
    %reduce_sum3A_140 = vector.multi_reduction <add>, %select_n3A_138, %reduce_sum3A_139 [2] : vector<4x256x512xf32> to vector<4x256xf32>
    %broadcast_in_dim3A_141 = vector.shape_cast %reduce_sum3A_140 : vector<4x256xf32> to vector<4x256x1xf32>
    %add3A_142 = arith.addf %add3A_119, %broadcast_in_dim3A_141 : vector<4x256x1xf32>
    %slice3A_143 = vector.extract_strided_slice %select_n3A {offsets = [0, 5, 0], sizes = [4, 1, 512], strides = [1, 1, 1]} : vector<4x8x512xf32> to vector<4x1x512xf32>
    %eq3A_144 = vector.broadcast %convert_element_type3A_25 : vector<1x256x1xf32> to vector<4x256x512xf32>
    %eq3A_145 = vector.broadcast %slice3A_143 : vector<4x1x512xf32> to vector<4x256x512xf32>
    %eq3A_146 = arith.cmpf oeq, %eq3A_144, %eq3A_145 : vector<4x256x512xf32>
    %slice3A_147 = vector.extract_strided_slice %get3A_2 {offsets = [0, 5, 0], sizes = [4, 1, 512], strides = [1, 1, 1]} : vector<4x8x512xf32> to vector<4x1x512xf32>
    %jit3A_148 = arith.constant 0.000000e+00 : f32
    %broadcast_in_dim3A_149 = vector.shape_cast %slice3A_147 : vector<4x1x512xf32> to vector<4x1x512xf32>
    %broadcast_in_dim3A_150 = vector.broadcast %broadcast_in_dim3A_149 : vector<4x1x512xf32> to vector<4x256x512xf32>
    %broadcast_in_dim3A_151 = vector.broadcast %jit3A_148 : f32 to vector<4x256x512xf32>
    %select_n3A_152 = arith.select %eq3A_146, %broadcast_in_dim3A_150, %broadcast_in_dim3A_151 : vector<4x256x512xi1>, vector<4x256x512xf32>
    %reduce_sum3A_153 = arith.constant dense<0.000000e+00> : vector<4x256xf32>
    %reduce_sum3A_154 = vector.multi_reduction <add>, %select_n3A_152, %reduce_sum3A_153 [2] : vector<4x256x512xf32> to vector<4x256xf32>
    %broadcast_in_dim3A_155 = vector.shape_cast %reduce_sum3A_154 : vector<4x256xf32> to vector<4x256x1xf32>
    %add3A_156 = arith.addf %add3A_133, %broadcast_in_dim3A_155 : vector<4x256x1xf32>
    %jit3A_157 = arith.constant 0.000000e+00 : f32
    %broadcast_in_dim3A_158 = vector.shape_cast %convert_element_type3A_23 : vector<1x1x512xf32> to vector<1x1x512xf32>
    %broadcast_in_dim3A_159 = vector.broadcast %broadcast_in_dim3A_158 : vector<1x1x512xf32> to vector<4x256x512xf32>
    %broadcast_in_dim3A_160 = vector.broadcast %jit3A_157 : f32 to vector<4x256x512xf32>
    %select_n3A_161 = arith.select %eq3A_146, %broadcast_in_dim3A_159, %broadcast_in_dim3A_160 : vector<4x256x512xi1>, vector<4x256x512xf32>
    %reduce_sum3A_162 = arith.constant dense<0.000000e+00> : vector<4x256xf32>
    %reduce_sum3A_163 = vector.multi_reduction <add>, %select_n3A_161, %reduce_sum3A_162 [2] : vector<4x256x512xf32> to vector<4x256xf32>
    %broadcast_in_dim3A_164 = vector.shape_cast %reduce_sum3A_163 : vector<4x256xf32> to vector<4x256x1xf32>
    %add3A_165 = arith.addf %add3A_142, %broadcast_in_dim3A_164 : vector<4x256x1xf32>
    %slice3A_166 = vector.extract_strided_slice %select_n3A {offsets = [0, 6, 0], sizes = [4, 1, 512], strides = [1, 1, 1]} : vector<4x8x512xf32> to vector<4x1x512xf32>
    %eq3A_167 = vector.broadcast %convert_element_type3A_25 : vector<1x256x1xf32> to vector<4x256x512xf32>
    %eq3A_168 = vector.broadcast %slice3A_166 : vector<4x1x512xf32> to vector<4x256x512xf32>
    %eq3A_169 = arith.cmpf oeq, %eq3A_167, %eq3A_168 : vector<4x256x512xf32>
    %slice3A_170 = vector.extract_strided_slice %get3A_2 {offsets = [0, 6, 0], sizes = [4, 1, 512], strides = [1, 1, 1]} : vector<4x8x512xf32> to vector<4x1x512xf32>
    %jit3A_171 = arith.constant 0.000000e+00 : f32
    %broadcast_in_dim3A_172 = vector.shape_cast %slice3A_170 : vector<4x1x512xf32> to vector<4x1x512xf32>
    %broadcast_in_dim3A_173 = vector.broadcast %broadcast_in_dim3A_172 : vector<4x1x512xf32> to vector<4x256x512xf32>
    %broadcast_in_dim3A_174 = vector.broadcast %jit3A_171 : f32 to vector<4x256x512xf32>
    %select_n3A_175 = arith.select %eq3A_169, %broadcast_in_dim3A_173, %broadcast_in_dim3A_174 : vector<4x256x512xi1>, vector<4x256x512xf32>
    %reduce_sum3A_176 = arith.constant dense<0.000000e+00> : vector<4x256xf32>
    %reduce_sum3A_177 = vector.multi_reduction <add>, %select_n3A_175, %reduce_sum3A_176 [2] : vector<4x256x512xf32> to vector<4x256xf32>
    %broadcast_in_dim3A_178 = vector.shape_cast %reduce_sum3A_177 : vector<4x256xf32> to vector<4x256x1xf32>
    %add3A_179 = arith.addf %add3A_156, %broadcast_in_dim3A_178 : vector<4x256x1xf32>
    %jit3A_180 = arith.constant 0.000000e+00 : f32
    %broadcast_in_dim3A_181 = vector.shape_cast %convert_element_type3A_23 : vector<1x1x512xf32> to vector<1x1x512xf32>
    %broadcast_in_dim3A_182 = vector.broadcast %broadcast_in_dim3A_181 : vector<1x1x512xf32> to vector<4x256x512xf32>
    %broadcast_in_dim3A_183 = vector.broadcast %jit3A_180 : f32 to vector<4x256x512xf32>
    %select_n3A_184 = arith.select %eq3A_169, %broadcast_in_dim3A_182, %broadcast_in_dim3A_183 : vector<4x256x512xi1>, vector<4x256x512xf32>
    %reduce_sum3A_185 = arith.constant dense<0.000000e+00> : vector<4x256xf32>
    %reduce_sum3A_186 = vector.multi_reduction <add>, %select_n3A_184, %reduce_sum3A_185 [2] : vector<4x256x512xf32> to vector<4x256xf32>
    %broadcast_in_dim3A_187 = vector.shape_cast %reduce_sum3A_186 : vector<4x256xf32> to vector<4x256x1xf32>
    %add3A_188 = arith.addf %add3A_165, %broadcast_in_dim3A_187 : vector<4x256x1xf32>
    %slice3A_189 = vector.extract_strided_slice %select_n3A {offsets = [0, 7, 0], sizes = [4, 1, 512], strides = [1, 1, 1]} : vector<4x8x512xf32> to vector<4x1x512xf32>
    %eq3A_190 = vector.broadcast %convert_element_type3A_25 : vector<1x256x1xf32> to vector<4x256x512xf32>
    %eq3A_191 = vector.broadcast %slice3A_189 : vector<4x1x512xf32> to vector<4x256x512xf32>
    %eq3A_192 = arith.cmpf oeq, %eq3A_190, %eq3A_191 : vector<4x256x512xf32>
    %slice3A_193 = vector.extract_strided_slice %get3A_2 {offsets = [0, 7, 0], sizes = [4, 1, 512], strides = [1, 1, 1]} : vector<4x8x512xf32> to vector<4x1x512xf32>
    %jit3A_194 = arith.constant 0.000000e+00 : f32
    %broadcast_in_dim3A_195 = vector.shape_cast %slice3A_193 : vector<4x1x512xf32> to vector<4x1x512xf32>
    %broadcast_in_dim3A_196 = vector.broadcast %broadcast_in_dim3A_195 : vector<4x1x512xf32> to vector<4x256x512xf32>
    %broadcast_in_dim3A_197 = vector.broadcast %jit3A_194 : f32 to vector<4x256x512xf32>
    %select_n3A_198 = arith.select %eq3A_192, %broadcast_in_dim3A_196, %broadcast_in_dim3A_197 : vector<4x256x512xi1>, vector<4x256x512xf32>
    %reduce_sum3A_199 = arith.constant dense<0.000000e+00> : vector<4x256xf32>
    %reduce_sum3A_200 = vector.multi_reduction <add>, %select_n3A_198, %reduce_sum3A_199 [2] : vector<4x256x512xf32> to vector<4x256xf32>
    %broadcast_in_dim3A_201 = vector.shape_cast %reduce_sum3A_200 : vector<4x256xf32> to vector<4x256x1xf32>
    %add3A_202 = arith.addf %add3A_179, %broadcast_in_dim3A_201 : vector<4x256x1xf32>
    %jit3A_203 = arith.constant 0.000000e+00 : f32
    %broadcast_in_dim3A_204 = vector.shape_cast %convert_element_type3A_23 : vector<1x1x512xf32> to vector<1x1x512xf32>
    %broadcast_in_dim3A_205 = vector.broadcast %broadcast_in_dim3A_204 : vector<1x1x512xf32> to vector<4x256x512xf32>
    %broadcast_in_dim3A_206 = vector.broadcast %jit3A_203 : f32 to vector<4x256x512xf32>
    %select_n3A_207 = arith.select %eq3A_192, %broadcast_in_dim3A_205, %broadcast_in_dim3A_206 : vector<4x256x512xi1>, vector<4x256x512xf32>
    %reduce_sum3A_208 = arith.constant dense<0.000000e+00> : vector<4x256xf32>
    %reduce_sum3A_209 = vector.multi_reduction <add>, %select_n3A_207, %reduce_sum3A_208 [2] : vector<4x256x512xf32> to vector<4x256xf32>
    %broadcast_in_dim3A_210 = vector.shape_cast %reduce_sum3A_209 : vector<4x256xf32> to vector<4x256x1xf32>
    %add3A_211 = arith.addf %add3A_188, %broadcast_in_dim3A_210 : vector<4x256x1xf32>
    %iota3A_212 = tpu.iota {dimensions = array<i32: 0>} : vector<256x256xi32>
    %iota3A_213 = tpu.iota {dimensions = array<i32: 1>} : vector<256x256xi32>
    %eq3A_214 = arith.cmpi eq, %iota3A_212, %iota3A_213 : vector<256x256xi32>
    %convert_element_type3A_215 = arith.extui %eq3A_214 : vector<256x256xi1> to vector<256x256xi32>
    %convert_element_type3A_216 = arith.sitofp %convert_element_type3A_215 : vector<256x256xi32> to vector<256x256xf32>
    %slice3A_217 = vector.extract_strided_slice %add3A_202 {offsets = [0, 0, 0], sizes = [1, 256, 1], strides = [1, 1, 1]} : vector<4x256x1xf32> to vector<1x256x1xf32>
    %squeeze3A = vector.shape_cast %slice3A_217 : vector<1x256x1xf32> to vector<256x1xf32>
    %dot_general3A_218 = arith.constant dense<0.000000e+00> : vector<1x256xf32>
    %dot_general3A_219 = tpu.matmul %squeeze3A, %convert_element_type3A_216, %dot_general3A_218 {dimension_numbers = #tpu.dot_dimension_numbers<[0], [0], [1], [1], [0, 1, 1, 1], [], []>, precision = #tpu.contract_precision<fp32>, transpose_lhs_hint = false} : vector<256x1xf32>, vector<256x256xf32>, vector<1x256xf32> -> vector<1x256xf32>
    %slice3A_220 = vector.extract_strided_slice %add3A_202 {offsets = [1, 0, 0], sizes = [1, 256, 1], strides = [1, 1, 1]} : vector<4x256x1xf32> to vector<1x256x1xf32>
    %squeeze3A_221 = vector.shape_cast %slice3A_220 : vector<1x256x1xf32> to vector<256x1xf32>
    %dot_general3A_222 = arith.constant dense<0.000000e+00> : vector<1x256xf32>
    %dot_general3A_223 = tpu.matmul %squeeze3A_221, %convert_element_type3A_216, %dot_general3A_222 {dimension_numbers = #tpu.dot_dimension_numbers<[0], [0], [1], [1], [0, 1, 1, 1], [], []>, precision = #tpu.contract_precision<fp32>, transpose_lhs_hint = false} : vector<256x1xf32>, vector<256x256xf32>, vector<1x256xf32> -> vector<1x256xf32>
    %slice3A_224 = vector.extract_strided_slice %add3A_202 {offsets = [2, 0, 0], sizes = [1, 256, 1], strides = [1, 1, 1]} : vector<4x256x1xf32> to vector<1x256x1xf32>
    %squeeze3A_225 = vector.shape_cast %slice3A_224 : vector<1x256x1xf32> to vector<256x1xf32>
    %dot_general3A_226 = arith.constant dense<0.000000e+00> : vector<1x256xf32>
    %dot_general3A_227 = tpu.matmul %squeeze3A_225, %convert_element_type3A_216, %dot_general3A_226 {dimension_numbers = #tpu.dot_dimension_numbers<[0], [0], [1], [1], [0, 1, 1, 1], [], []>, precision = #tpu.contract_precision<fp32>, transpose_lhs_hint = false} : vector<256x1xf32>, vector<256x256xf32>, vector<1x256xf32> -> vector<1x256xf32>
    %slice3A_228 = vector.extract_strided_slice %add3A_202 {offsets = [3, 0, 0], sizes = [1, 256, 1], strides = [1, 1, 1]} : vector<4x256x1xf32> to vector<1x256x1xf32>
    %squeeze3A_229 = vector.shape_cast %slice3A_228 : vector<1x256x1xf32> to vector<256x1xf32>
    %dot_general3A_230 = arith.constant dense<0.000000e+00> : vector<1x256xf32>
    %dot_general3A_231 = tpu.matmul %squeeze3A_229, %convert_element_type3A_216, %dot_general3A_230 {dimension_numbers = #tpu.dot_dimension_numbers<[0], [0], [1], [1], [0, 1, 1, 1], [], []>, precision = #tpu.contract_precision<fp32>, transpose_lhs_hint = false} : vector<256x1xf32>, vector<256x256xf32>, vector<1x256xf32> -> vector<1x256xf32>
    %stack3A = vector.shape_cast %dot_general3A_219 : vector<1x256xf32> to vector<1x1x256xf32>
    %stack3A_232 = vector.shape_cast %dot_general3A_223 : vector<1x256xf32> to vector<1x1x256xf32>
    %stack3A_233 = vector.shape_cast %dot_general3A_227 : vector<1x256xf32> to vector<1x1x256xf32>
    %stack3A_234 = vector.shape_cast %dot_general3A_231 : vector<1x256xf32> to vector<1x1x256xf32>
    %stack3A_235 = tpu.concatenate %stack3A, %stack3A_232, %stack3A_233, %stack3A_234 in 0 : vector<1x1x256xf32>, vector<1x1x256xf32>, vector<1x1x256xf32>, vector<1x1x256xf32> -> vector<4x1x256xf32>
    %iota3A_236 = tpu.iota {dimensions = array<i32: 1>} : vector<1x256x256xi32>
    %iota3A_237 = tpu.iota {dimensions = array<i32: 2>} : vector<1x256x256xi32>
    %gt3A_238 = vector.broadcast %stack3A_235 : vector<4x1x256xf32> to vector<4x256x256xf32>
    %gt3A_239 = vector.broadcast %add3A_202 : vector<4x256x1xf32> to vector<4x256x256xf32>
    %gt3A_240 = arith.cmpf ogt, %gt3A_238, %gt3A_239 : vector<4x256x256xf32>
    %convert_element_type3A_241 = arith.extui %gt3A_240 : vector<4x256x256xi1> to vector<4x256x256xi32>
    %convert_element_type3A_242 = arith.sitofp %convert_element_type3A_241 : vector<4x256x256xi32> to vector<4x256x256xf32>
    %eq3A_243 = vector.broadcast %stack3A_235 : vector<4x1x256xf32> to vector<4x256x256xf32>
    %eq3A_244 = vector.broadcast %add3A_202 : vector<4x256x1xf32> to vector<4x256x256xf32>
    %eq3A_245 = arith.cmpf oeq, %eq3A_243, %eq3A_244 : vector<4x256x256xf32>
    %lt3A_246 = arith.cmpi slt, %iota3A_237, %iota3A_236 : vector<1x256x256xi32>
    %and3A = vector.broadcast %lt3A_246 : vector<1x256x256xi1> to vector<4x256x256xi1>
    %and3A_247 = arith.andi %eq3A_245, %and3A : vector<4x256x256xi1>
    %convert_element_type3A_248 = arith.extui %and3A_247 : vector<4x256x256xi1> to vector<4x256x256xi32>
    %convert_element_type3A_249 = arith.sitofp %convert_element_type3A_248 : vector<4x256x256xi32> to vector<4x256x256xf32>
    %add3A_250 = arith.addf %convert_element_type3A_242, %convert_element_type3A_249 : vector<4x256x256xf32>
    %reduce_sum3A_251 = arith.constant dense<0.000000e+00> : vector<4x256xf32>
    %reduce_sum3A_252 = vector.multi_reduction <add>, %add3A_250, %reduce_sum3A_251 [2] : vector<4x256x256xf32> to vector<4x256xf32>
    %broadcast_in_dim3A_253 = vector.shape_cast %reduce_sum3A_252 : vector<4x256xf32> to vector<4x256x1xf32>
    %iota3A_254 = tpu.iota {dimensions = array<i32: 2>} : vector<1x256x256xi32>
    %convert_element_type3A_255 = arith.sitofp %iota3A_254 : vector<1x256x256xi32> to vector<1x256x256xf32>
    %eq3A_256 = vector.broadcast %broadcast_in_dim3A_253 : vector<4x256x1xf32> to vector<4x256x256xf32>
    %eq3A_257 = vector.broadcast %convert_element_type3A_255 : vector<1x256x256xf32> to vector<4x256x256xf32>
    %eq3A_258 = arith.cmpf oeq, %eq3A_256, %eq3A_257 : vector<4x256x256xf32>
    %convert_element_type3A_259 = arith.extui %eq3A_258 : vector<4x256x256xi1> to vector<4x256x256xi32>
    %convert_element_type3A_260 = arith.sitofp %convert_element_type3A_259 : vector<4x256x256xi32> to vector<4x256x256xf32>
    %mul3A = arith.constant 4 : i32
    %mul3A_261 = arith.muli %arg0, %mul3A : i32
    %mul3A_262 = arith.constant 512 : i32
    %mul3A_263 = arith.muli %mul3A_261, %mul3A_262 : i32
    %iota3A_264 = tpu.iota {dimensions = array<i32: 0>} : vector<4x1x1xi32>
    %mul3A_265 = arith.constant 512 : i32
    %mul3A_266 = vector.broadcast %mul3A_265 : i32 to vector<4x1x1xi32>
    %mul3A_267 = arith.muli %iota3A_264, %mul3A_266 : vector<4x1x1xi32>
    %add3A_268 = vector.broadcast %mul3A_263 : i32 to vector<4x1x1xi32>
    %add3A_269 = arith.addi %add3A_268, %mul3A_267 : vector<4x1x1xi32>
    %convert_element_type3A_270 = arith.sitofp %add3A_269 : vector<4x1x1xi32> to vector<4x1x1xf32>
    %add3A_271 = vector.broadcast %convert_element_type3A_270 : vector<4x1x1xf32> to vector<4x256x1xf32>
    %add3A_272 = arith.addf %add3A_211, %add3A_271 : vector<4x256x1xf32>
    %slice3A_273 = vector.extract_strided_slice %add3A_272 {offsets = [0, 0, 0], sizes = [1, 256, 1], strides = [1, 1, 1]} : vector<4x256x1xf32> to vector<1x256x1xf32>
    %squeeze3A_274 = vector.shape_cast %slice3A_273 : vector<1x256x1xf32> to vector<256x1xf32>
    %slice3A_275 = vector.extract_strided_slice %convert_element_type3A_260 {offsets = [0, 0, 0], sizes = [1, 256, 256], strides = [1, 1, 1]} : vector<4x256x256xf32> to vector<1x256x256xf32>
    %squeeze3A_276 = vector.shape_cast %slice3A_275 : vector<1x256x256xf32> to vector<256x256xf32>
    %dot_general3A_277 = arith.constant dense<0.000000e+00> : vector<1x256xf32>
    %dot_general3A_278 = tpu.matmul %squeeze3A_274, %squeeze3A_276, %dot_general3A_277 {dimension_numbers = #tpu.dot_dimension_numbers<[0], [0], [1], [1], [0, 1, 1, 1], [], []>, precision = #tpu.contract_precision<fp32>, transpose_lhs_hint = false} : vector<256x1xf32>, vector<256x256xf32>, vector<1x256xf32> -> vector<1x256xf32>
    %slice3A_279 = vector.extract_strided_slice %add3A_272 {offsets = [1, 0, 0], sizes = [1, 256, 1], strides = [1, 1, 1]} : vector<4x256x1xf32> to vector<1x256x1xf32>
    %squeeze3A_280 = vector.shape_cast %slice3A_279 : vector<1x256x1xf32> to vector<256x1xf32>
    %slice3A_281 = vector.extract_strided_slice %convert_element_type3A_260 {offsets = [1, 0, 0], sizes = [1, 256, 256], strides = [1, 1, 1]} : vector<4x256x256xf32> to vector<1x256x256xf32>
    %squeeze3A_282 = vector.shape_cast %slice3A_281 : vector<1x256x256xf32> to vector<256x256xf32>
    %dot_general3A_283 = arith.constant dense<0.000000e+00> : vector<1x256xf32>
    %dot_general3A_284 = tpu.matmul %squeeze3A_280, %squeeze3A_282, %dot_general3A_283 {dimension_numbers = #tpu.dot_dimension_numbers<[0], [0], [1], [1], [0, 1, 1, 1], [], []>, precision = #tpu.contract_precision<fp32>, transpose_lhs_hint = false} : vector<256x1xf32>, vector<256x256xf32>, vector<1x256xf32> -> vector<1x256xf32>
    %slice3A_285 = vector.extract_strided_slice %add3A_272 {offsets = [2, 0, 0], sizes = [1, 256, 1], strides = [1, 1, 1]} : vector<4x256x1xf32> to vector<1x256x1xf32>
    %squeeze3A_286 = vector.shape_cast %slice3A_285 : vector<1x256x1xf32> to vector<256x1xf32>
    %slice3A_287 = vector.extract_strided_slice %convert_element_type3A_260 {offsets = [2, 0, 0], sizes = [1, 256, 256], strides = [1, 1, 1]} : vector<4x256x256xf32> to vector<1x256x256xf32>
    %squeeze3A_288 = vector.shape_cast %slice3A_287 : vector<1x256x256xf32> to vector<256x256xf32>
    %dot_general3A_289 = arith.constant dense<0.000000e+00> : vector<1x256xf32>
    %dot_general3A_290 = tpu.matmul %squeeze3A_286, %squeeze3A_288, %dot_general3A_289 {dimension_numbers = #tpu.dot_dimension_numbers<[0], [0], [1], [1], [0, 1, 1, 1], [], []>, precision = #tpu.contract_precision<fp32>, transpose_lhs_hint = false} : vector<256x1xf32>, vector<256x256xf32>, vector<1x256xf32> -> vector<1x256xf32>
    %slice3A_291 = vector.extract_strided_slice %add3A_272 {offsets = [3, 0, 0], sizes = [1, 256, 1], strides = [1, 1, 1]} : vector<4x256x1xf32> to vector<1x256x1xf32>
    %squeeze3A_292 = vector.shape_cast %slice3A_291 : vector<1x256x1xf32> to vector<256x1xf32>
    %slice3A_293 = vector.extract_strided_slice %convert_element_type3A_260 {offsets = [3, 0, 0], sizes = [1, 256, 256], strides = [1, 1, 1]} : vector<4x256x256xf32> to vector<1x256x256xf32>
    %squeeze3A_294 = vector.shape_cast %slice3A_293 : vector<1x256x256xf32> to vector<256x256xf32>
    %dot_general3A_295 = arith.constant dense<0.000000e+00> : vector<1x256xf32>
    %dot_general3A_296 = tpu.matmul %squeeze3A_292, %squeeze3A_294, %dot_general3A_295 {dimension_numbers = #tpu.dot_dimension_numbers<[0], [0], [1], [1], [0, 1, 1, 1], [], []>, precision = #tpu.contract_precision<fp32>, transpose_lhs_hint = false} : vector<256x1xf32>, vector<256x256xf32>, vector<1x256xf32> -> vector<1x256xf32>
    %stack3A_297 = vector.shape_cast %dot_general3A_278 : vector<1x256xf32> to vector<1x1x256xf32>
    %stack3A_298 = vector.shape_cast %dot_general3A_284 : vector<1x256xf32> to vector<1x1x256xf32>
    %stack3A_299 = vector.shape_cast %dot_general3A_290 : vector<1x256xf32> to vector<1x1x256xf32>
    %stack3A_300 = vector.shape_cast %dot_general3A_296 : vector<1x256xf32> to vector<1x1x256xf32>
    %stack3A_301 = tpu.concatenate %stack3A_297, %stack3A_298, %stack3A_299, %stack3A_300 in 0 : vector<1x1x256xf32>, vector<1x1x256xf32>, vector<1x1x256xf32>, vector<1x1x256xf32> -> vector<4x1x256xf32>
    %convert_element_type3A_302 = arith.fptosi %stack3A_301 : vector<4x1x256xf32> to vector<4x1x256xi32>
    %swap3A = arith.constant 0 : index
    %swap3A_303 = arith.constant 0 : index
    %swap3A_304 = arith.constant 0 : index
    %swap3A_305 = vector.load %arg3[%swap3A, %swap3A_303, %swap3A_304] : memref<4x1x256xi32, #tpu.memory_space<vmem>>, vector<4x1x256xi32>
    tpu.vector_store %arg3[%swap3A, %swap3A_303, %swap3A_304], %convert_element_type3A_302 {strides = array<i32>} : memref<4x1x256xi32, #tpu.memory_space<vmem>>, vector<4x1x256xi32>,
    return
  }
  func.func @transform_0(%arg0: i32) -> (i32, i32, i32) {
    %c0_i32 = arith.constant 0 : i32
    %c0_i32_0 = arith.constant 0 : i32
    %c0_i32_1 = arith.constant 0 : i32
    return %arg0, %c0_i32, %c0_i32_0 : i32, i32, i32
  }
  func.func @transform_1(%arg0: i32) -> (i32, i32, i32) {
    %c0_i32 = arith.constant 0 : i32
    %c0_i32_0 = arith.constant 0 : i32
    %c0_i32_1 = arith.constant 0 : i32
    return %arg0, %c0_i32, %c0_i32_0 : i32, i32, i32
  }
  func.func @transform_2(%arg0: i32) -> (i32, i32, i32) {
    %c0_i32 = arith.constant 0 : i32
    %c0_i32_0 = arith.constant 0 : i32
    %c0_i32_1 = arith.constant 0 : i32
    return %arg0, %c0_i32, %c0_i32_0 : i32, i32, i32
  }
}

module attributes {stable_mosaic.version = 14 : i64} {
  func.func @_proxy_body(%arg0: memref<8x512xf32, #tpu.memory_space<vmem>>, %arg1: memref<8x50x256xf32, #tpu.memory_space<vmem>>, %arg2: memref<256x4xf32, #tpu.memory_space<vmem>>, %arg3: memref<1x4xf32, #tpu.memory_space<vmem>>, %arg4: memref<8x512xf32, #tpu.memory_space<vmem>>, %arg5: memref<8x50x256xf32, #tpu.memory_space<vmem>>, %arg6: memref<256x4xf32, #tpu.memory_space<vmem>>, %arg7: memref<1x4xf32, #tpu.memory_space<vmem>>, %arg8: memref<8x256xf32, #tpu.memory_space<vmem>>, %arg9: memref<8x256xf32, #tpu.memory_space<vmem>>, %arg10: memref<8x4xf32, #tpu.memory_space<vmem>>, %arg11: memref<8x256xf32, #tpu.memory_space<vmem>>, %arg12: memref<8x256xf32, #tpu.memory_space<vmem>>, %arg13: memref<8x4xf32, #tpu.memory_space<vmem>>) attributes {dimension_semantics = [], scalar_prefetch = 0 : i64, scratch_operands = 0 : i64, tpu.core_type = #tpu.core_type<tc>} {
    %get3A = arith.constant 0 : index
    %get3A_0 = arith.constant 0 : index
    %get3A_1 = vector.load %arg0[%get3A, %get3A_0] : memref<8x512xf32, #tpu.memory_space<vmem>>, vector<8x512xf32>
    %slice3A = vector.extract_strided_slice %get3A_1 {offsets = [0, 0], sizes = [8, 256], strides = [1, 1]} : vector<8x512xf32> to vector<8x256xf32>
    %slice3A_2 = vector.extract_strided_slice %get3A_1 {offsets = [0, 256], sizes = [8, 256], strides = [1, 1]} : vector<8x512xf32> to vector<8x256xf32>
    %max3A = arith.constant 0.000000e+00 : f32
    %max3A_3 = vector.broadcast %max3A : f32 to vector<8x256xf32>
    %max3A_4 = arith.maximumf %slice3A_2, %max3A_3 : vector<8x256xf32>
    %abs3A = math.absf %slice3A_2 : vector<8x256xf32>
    %neg3A = arith.constant 0.000000e+00 : f32
    %neg3A_5 = vector.broadcast %neg3A : f32 to vector<8x256xf32>
    %neg3A_6 = arith.subf %neg3A_5, %abs3A : vector<8x256xf32>
    %exp3A = math.exp %neg3A_6 : vector<8x256xf32>
    %add3A = arith.constant 1.000000e+00 : f32
    %add3A_7 = vector.broadcast %add3A : f32 to vector<8x256xf32>
    %add3A_8 = arith.addf %add3A_7, %exp3A : vector<8x256xf32>
    %log3A = math.log %add3A_8 : vector<8x256xf32>
    %add3A_9 = arith.addf %max3A_4, %log3A : vector<8x256xf32>
    %broadcast_in_dim3A = vector.shape_cast %slice3A : vector<8x256xf32> to vector<8x1x256xf32>
    %broadcast_in_dim3A_10 = vector.shape_cast %add3A_9 : vector<8x256xf32> to vector<8x1x256xf32>
    %get3A_11 = arith.constant 0 : index
    %get3A_12 = arith.constant 0 : index
    %get3A_13 = arith.constant 0 : index
    %get3A_14 = vector.load %arg1[%get3A_11, %get3A_12, %get3A_13] : memref<8x50x256xf32, #tpu.memory_space<vmem>>, vector<8x50x256xf32>
    %mul3A = vector.broadcast %broadcast_in_dim3A_10 : vector<8x1x256xf32> to vector<8x50x256xf32>
    %mul3A_15 = arith.mulf %mul3A, %get3A_14 : vector<8x50x256xf32>
    %add3A_16 = vector.broadcast %broadcast_in_dim3A : vector<8x1x256xf32> to vector<8x50x256xf32>
    %add3A_17 = arith.addf %add3A_16, %mul3A_15 : vector<8x50x256xf32>
    %reduce_sum3A = arith.constant dense<0.000000e+00> : vector<8x256xf32>
    %reduce_sum3A_18 = vector.multi_reduction <add>, %add3A_17, %reduce_sum3A [1] : vector<8x50x256xf32> to vector<8x256xf32>
    %div3A = arith.constant 5.000000e+01 : f32
    %div3A_19 = vector.broadcast %div3A : f32 to vector<8x256xf32>
    %div3A_20 = arith.divf %reduce_sum3A_18, %div3A_19 : vector<8x256xf32>
    %get3A_21 = arith.constant 0 : index
    %get3A_22 = arith.constant 0 : index
    %get3A_23 = vector.load %arg2[%get3A_21, %get3A_22] : memref<256x4xf32, #tpu.memory_space<vmem>>, vector<256x4xf32>
    %dot_general3A = arith.constant dense<0.000000e+00> : vector<8x4xf32>
    %dot_general3A_24 = tpu.matmul %div3A_20, %get3A_23, %dot_general3A {dimension_numbers = #tpu.dot_dimension_numbers<[1], [0], [0], [1], [0, 0, 1, 1], [], []>, transpose_lhs_hint = false} : vector<8x256xf32>, vector<256x4xf32>, vector<8x4xf32> -> vector<8x4xf32>
    %get3A_25 = arith.constant 0 : index
    %get3A_26 = arith.constant 0 : index
    %get3A_27 = vector.load %arg3[%get3A_25, %get3A_26] : memref<1x4xf32, #tpu.memory_space<vmem>>, vector<1x4xf32>
    %add3A_28 = vector.broadcast %get3A_27 : vector<1x4xf32> to vector<8x4xf32>
    %add3A_29 = arith.addf %dot_general3A_24, %add3A_28 : vector<8x4xf32>
    %mul3A_30 = arith.mulf %div3A_20, %div3A_20 : vector<8x256xf32>
    %reduce_sum3A_31 = arith.constant dense<0.000000e+00> : vector<8xf32>
    %reduce_sum3A_32 = vector.multi_reduction <add>, %mul3A_30, %reduce_sum3A_31 [1] : vector<8x256xf32> to vector<8xf32>
    %broadcast_in_dim3A_33 = vector.shape_cast %reduce_sum3A_32 : vector<8xf32> to vector<8x1xf32>
    %sqrt3A = math.sqrt %broadcast_in_dim3A_33 : vector<8x1xf32>
    %max3A_34 = arith.constant 9.99999996E-13 : f32
    %max3A_35 = vector.broadcast %max3A_34 : f32 to vector<8x1xf32>
    %max3A_36 = arith.maximumf %sqrt3A, %max3A_35 : vector<8x1xf32>
    %div3A_37 = vector.broadcast %max3A_36 : vector<8x1xf32> to vector<8x256xf32>
    %div3A_38 = arith.divf %div3A_20, %div3A_37 : vector<8x256xf32>
    %swap3A = arith.constant 0 : index
    %swap3A_39 = arith.constant 0 : index
    %swap3A_40 = vector.load %arg8[%swap3A, %swap3A_39] : memref<8x256xf32, #tpu.memory_space<vmem>>, vector<8x256xf32>
    tpu.vector_store %arg8[%swap3A, %swap3A_39], %add3A_9 {strides = array<i32>} : memref<8x256xf32, #tpu.memory_space<vmem>>, vector<8x256xf32>,
    %swap3A_41 = arith.constant 0 : index
    %swap3A_42 = arith.constant 0 : index
    %swap3A_43 = vector.load %arg9[%swap3A_41, %swap3A_42] : memref<8x256xf32, #tpu.memory_space<vmem>>, vector<8x256xf32>
    tpu.vector_store %arg9[%swap3A_41, %swap3A_42], %div3A_38 {strides = array<i32>} : memref<8x256xf32, #tpu.memory_space<vmem>>, vector<8x256xf32>,
    %swap3A_44 = arith.constant 0 : index
    %swap3A_45 = arith.constant 0 : index
    %swap3A_46 = vector.load %arg10[%swap3A_44, %swap3A_45] : memref<8x4xf32, #tpu.memory_space<vmem>>, vector<8x4xf32>
    tpu.vector_store %arg10[%swap3A_44, %swap3A_45], %add3A_29 {strides = array<i32>} : memref<8x4xf32, #tpu.memory_space<vmem>>, vector<8x4xf32>,
    %get3A_47 = arith.constant 0 : index
    %get3A_48 = arith.constant 0 : index
    %get3A_49 = vector.load %arg4[%get3A_47, %get3A_48] : memref<8x512xf32, #tpu.memory_space<vmem>>, vector<8x512xf32>
    %slice3A_50 = vector.extract_strided_slice %get3A_49 {offsets = [0, 0], sizes = [8, 256], strides = [1, 1]} : vector<8x512xf32> to vector<8x256xf32>
    %slice3A_51 = vector.extract_strided_slice %get3A_49 {offsets = [0, 256], sizes = [8, 256], strides = [1, 1]} : vector<8x512xf32> to vector<8x256xf32>
    %max3A_52 = arith.constant 0.000000e+00 : f32
    %max3A_53 = vector.broadcast %max3A_52 : f32 to vector<8x256xf32>
    %max3A_54 = arith.maximumf %slice3A_51, %max3A_53 : vector<8x256xf32>
    %abs3A_55 = math.absf %slice3A_51 : vector<8x256xf32>
    %neg3A_56 = arith.constant 0.000000e+00 : f32
    %neg3A_57 = vector.broadcast %neg3A_56 : f32 to vector<8x256xf32>
    %neg3A_58 = arith.subf %neg3A_57, %abs3A_55 : vector<8x256xf32>
    %exp3A_59 = math.exp %neg3A_58 : vector<8x256xf32>
    %add3A_60 = arith.constant 1.000000e+00 : f32
    %add3A_61 = vector.broadcast %add3A_60 : f32 to vector<8x256xf32>
    %add3A_62 = arith.addf %add3A_61, %exp3A_59 : vector<8x256xf32>
    %log3A_63 = math.log %add3A_62 : vector<8x256xf32>
    %add3A_64 = arith.addf %max3A_54, %log3A_63 : vector<8x256xf32>
    %broadcast_in_dim3A_65 = vector.shape_cast %slice3A_50 : vector<8x256xf32> to vector<8x1x256xf32>
    %broadcast_in_dim3A_66 = vector.shape_cast %add3A_64 : vector<8x256xf32> to vector<8x1x256xf32>
    %get3A_67 = arith.constant 0 : index
    %get3A_68 = arith.constant 0 : index
    %get3A_69 = arith.constant 0 : index
    %get3A_70 = vector.load %arg5[%get3A_67, %get3A_68, %get3A_69] : memref<8x50x256xf32, #tpu.memory_space<vmem>>, vector<8x50x256xf32>
    %mul3A_71 = vector.broadcast %broadcast_in_dim3A_66 : vector<8x1x256xf32> to vector<8x50x256xf32>
    %mul3A_72 = arith.mulf %mul3A_71, %get3A_70 : vector<8x50x256xf32>
    %add3A_73 = vector.broadcast %broadcast_in_dim3A_65 : vector<8x1x256xf32> to vector<8x50x256xf32>
    %add3A_74 = arith.addf %add3A_73, %mul3A_72 : vector<8x50x256xf32>
    %reduce_sum3A_75 = arith.constant dense<0.000000e+00> : vector<8x256xf32>
    %reduce_sum3A_76 = vector.multi_reduction <add>, %add3A_74, %reduce_sum3A_75 [1] : vector<8x50x256xf32> to vector<8x256xf32>
    %div3A_77 = arith.constant 5.000000e+01 : f32
    %div3A_78 = vector.broadcast %div3A_77 : f32 to vector<8x256xf32>
    %div3A_79 = arith.divf %reduce_sum3A_76, %div3A_78 : vector<8x256xf32>
    %get3A_80 = arith.constant 0 : index
    %get3A_81 = arith.constant 0 : index
    %get3A_82 = vector.load %arg6[%get3A_80, %get3A_81] : memref<256x4xf32, #tpu.memory_space<vmem>>, vector<256x4xf32>
    %dot_general3A_83 = arith.constant dense<0.000000e+00> : vector<8x4xf32>
    %dot_general3A_84 = tpu.matmul %div3A_79, %get3A_82, %dot_general3A_83 {dimension_numbers = #tpu.dot_dimension_numbers<[1], [0], [0], [1], [0, 0, 1, 1], [], []>, transpose_lhs_hint = false} : vector<8x256xf32>, vector<256x4xf32>, vector<8x4xf32> -> vector<8x4xf32>
    %get3A_85 = arith.constant 0 : index
    %get3A_86 = arith.constant 0 : index
    %get3A_87 = vector.load %arg7[%get3A_85, %get3A_86] : memref<1x4xf32, #tpu.memory_space<vmem>>, vector<1x4xf32>
    %add3A_88 = vector.broadcast %get3A_87 : vector<1x4xf32> to vector<8x4xf32>
    %add3A_89 = arith.addf %dot_general3A_84, %add3A_88 : vector<8x4xf32>
    %mul3A_90 = arith.mulf %div3A_79, %div3A_79 : vector<8x256xf32>
    %reduce_sum3A_91 = arith.constant dense<0.000000e+00> : vector<8xf32>
    %reduce_sum3A_92 = vector.multi_reduction <add>, %mul3A_90, %reduce_sum3A_91 [1] : vector<8x256xf32> to vector<8xf32>
    %broadcast_in_dim3A_93 = vector.shape_cast %reduce_sum3A_92 : vector<8xf32> to vector<8x1xf32>
    %sqrt3A_94 = math.sqrt %broadcast_in_dim3A_93 : vector<8x1xf32>
    %max3A_95 = arith.constant 9.99999996E-13 : f32
    %max3A_96 = vector.broadcast %max3A_95 : f32 to vector<8x1xf32>
    %max3A_97 = arith.maximumf %sqrt3A_94, %max3A_96 : vector<8x1xf32>
    %div3A_98 = vector.broadcast %max3A_97 : vector<8x1xf32> to vector<8x256xf32>
    %div3A_99 = arith.divf %div3A_79, %div3A_98 : vector<8x256xf32>
    %swap3A_100 = arith.constant 0 : index
    %swap3A_101 = arith.constant 0 : index
    %swap3A_102 = vector.load %arg11[%swap3A_100, %swap3A_101] : memref<8x256xf32, #tpu.memory_space<vmem>>, vector<8x256xf32>
    tpu.vector_store %arg11[%swap3A_100, %swap3A_101], %add3A_64 {strides = array<i32>} : memref<8x256xf32, #tpu.memory_space<vmem>>, vector<8x256xf32>,
    %swap3A_103 = arith.constant 0 : index
    %swap3A_104 = arith.constant 0 : index
    %swap3A_105 = vector.load %arg12[%swap3A_103, %swap3A_104] : memref<8x256xf32, #tpu.memory_space<vmem>>, vector<8x256xf32>
    tpu.vector_store %arg12[%swap3A_103, %swap3A_104], %div3A_99 {strides = array<i32>} : memref<8x256xf32, #tpu.memory_space<vmem>>, vector<8x256xf32>,
    %swap3A_106 = arith.constant 0 : index
    %swap3A_107 = arith.constant 0 : index
    %swap3A_108 = vector.load %arg13[%swap3A_106, %swap3A_107] : memref<8x4xf32, #tpu.memory_space<vmem>>, vector<8x4xf32>
    tpu.vector_store %arg13[%swap3A_106, %swap3A_107], %add3A_89 {strides = array<i32>} : memref<8x4xf32, #tpu.memory_space<vmem>>, vector<8x4xf32>,
    return
  }
}

module attributes {stable_mosaic.version = 14 : i64} {
  func.func @_mlp_body(%arg0: i32, %arg1: memref<2x512x512xf32, #tpu.memory_space<vmem>>, %arg2: memref<512x512xf32, #tpu.memory_space<vmem>>, %arg3: memref<1x512xf32, #tpu.memory_space<vmem>>, %arg4: memref<512x512xf32, #tpu.memory_space<vmem>>, %arg5: memref<1x512xf32, #tpu.memory_space<vmem>>, %arg6: memref<512x256xf32, #tpu.memory_space<vmem>>, %arg7: memref<1x256xf32, #tpu.memory_space<vmem>>, %arg8: memref<8x256xf32, #tpu.memory_space<vmem>>, %arg9: memref<2x512x256xf32, #tpu.memory_space<vmem>>, %arg10: memref<2x8x512xf32, #tpu.memory_space<vmem>>) attributes {dimension_semantics = [#tpu.dimension_semantics<arbitrary>], iteration_bounds = array<i64: 16>, scalar_prefetch = 0 : i64, scratch_operands = 0 : i64, tpu.core_type = #tpu.core_type<tc>, window_params = [{transform_indices = @transform_0, window_bounds = array<i64: 2, 512, 512>}, {pipeline_mode = #tpu.pipeline_mode<synchronous>, transform_indices = @transform_1, window_bounds = array<i64: 512, 512>}, {pipeline_mode = #tpu.pipeline_mode<synchronous>, transform_indices = @transform_2, window_bounds = array<i64: 1, 512>}, {pipeline_mode = #tpu.pipeline_mode<synchronous>, transform_indices = @transform_3, window_bounds = array<i64: 512, 512>}, {pipeline_mode = #tpu.pipeline_mode<synchronous>, transform_indices = @transform_4, window_bounds = array<i64: 1, 512>}, {pipeline_mode = #tpu.pipeline_mode<synchronous>, transform_indices = @transform_5, window_bounds = array<i64: 512, 256>}, {pipeline_mode = #tpu.pipeline_mode<synchronous>, transform_indices = @transform_6, window_bounds = array<i64: 1, 256>}, {pipeline_mode = #tpu.pipeline_mode<synchronous>, transform_indices = @transform_7, window_bounds = array<i64: 8, 256>}, {transform_indices = @transform_8, window_bounds = array<i64: 2, 512, 256>}, {transform_indices = @transform_9, window_bounds = array<i64: 2, 8, 512>}]} {
    %get3A = arith.constant 0 : index
    %get3A_0 = arith.constant 0 : index
    %get3A_1 = arith.constant 0 : index
    %get3A_2 = vector.load %arg1[%get3A, %get3A_0, %get3A_1] : memref<2x512x512xf32, #tpu.memory_space<vmem>>, vector<2x512x512xf32>
    %reshape3A = vector.shape_cast %get3A_2 : vector<2x512x512xf32> to vector<1024x512xf32>
    %get3A_3 = arith.constant 0 : index
    %get3A_4 = arith.constant 0 : index
    %get3A_5 = vector.load %arg2[%get3A_3, %get3A_4] : memref<512x512xf32, #tpu.memory_space<vmem>>, vector<512x512xf32>
    %dot_general3A = arith.constant dense<0.000000e+00> : vector<1024x512xf32>
    %dot_general3A_6 = tpu.matmul %reshape3A, %get3A_5, %dot_general3A {dimension_numbers = #tpu.dot_dimension_numbers<[1], [0], [0], [1], [0, 0, 1, 1], [], []>, transpose_lhs_hint = false} : vector<1024x512xf32>, vector<512x512xf32>, vector<1024x512xf32> -> vector<1024x512xf32>
    %get3A_7 = arith.constant 0 : index
    %get3A_8 = arith.constant 0 : index
    %get3A_9 = vector.load %arg3[%get3A_7, %get3A_8] : memref<1x512xf32, #tpu.memory_space<vmem>>, vector<1x512xf32>
    %add3A = vector.broadcast %get3A_9 : vector<1x512xf32> to vector<1024x512xf32>
    %add3A_10 = arith.addf %dot_general3A_6, %add3A : vector<1024x512xf32>
    %max3A = arith.constant 0.000000e+00 : f32
    %max3A_11 = vector.broadcast %max3A : f32 to vector<1024x512xf32>
    %max3A_12 = arith.maximumf %add3A_10, %max3A_11 : vector<1024x512xf32>
    %get3A_13 = arith.constant 0 : index
    %get3A_14 = arith.constant 0 : index
    %get3A_15 = vector.load %arg4[%get3A_13, %get3A_14] : memref<512x512xf32, #tpu.memory_space<vmem>>, vector<512x512xf32>
    %dot_general3A_16 = arith.constant dense<0.000000e+00> : vector<1024x512xf32>
    %dot_general3A_17 = tpu.matmul %max3A_12, %get3A_15, %dot_general3A_16 {dimension_numbers = #tpu.dot_dimension_numbers<[1], [0], [0], [1], [0, 0, 1, 1], [], []>, transpose_lhs_hint = false} : vector<1024x512xf32>, vector<512x512xf32>, vector<1024x512xf32> -> vector<1024x512xf32>
    %get3A_18 = arith.constant 0 : index
    %get3A_19 = arith.constant 0 : index
    %get3A_20 = vector.load %arg5[%get3A_18, %get3A_19] : memref<1x512xf32, #tpu.memory_space<vmem>>, vector<1x512xf32>
    %add3A_21 = vector.broadcast %get3A_20 : vector<1x512xf32> to vector<1024x512xf32>
    %add3A_22 = arith.addf %dot_general3A_17, %add3A_21 : vector<1024x512xf32>
    %max3A_23 = arith.constant 0.000000e+00 : f32
    %max3A_24 = vector.broadcast %max3A_23 : f32 to vector<1024x512xf32>
    %max3A_25 = arith.maximumf %add3A_22, %max3A_24 : vector<1024x512xf32>
    %get3A_26 = arith.constant 0 : index
    %get3A_27 = arith.constant 0 : index
    %get3A_28 = vector.load %arg6[%get3A_26, %get3A_27] : memref<512x256xf32, #tpu.memory_space<vmem>>, vector<512x256xf32>
    %dot_general3A_29 = arith.constant dense<0.000000e+00> : vector<1024x256xf32>
    %dot_general3A_30 = tpu.matmul %max3A_25, %get3A_28, %dot_general3A_29 {dimension_numbers = #tpu.dot_dimension_numbers<[1], [0], [0], [1], [0, 0, 1, 1], [], []>, transpose_lhs_hint = false} : vector<1024x512xf32>, vector<512x256xf32>, vector<1024x256xf32> -> vector<1024x256xf32>
    %get3A_31 = arith.constant 0 : index
    %get3A_32 = arith.constant 0 : index
    %get3A_33 = vector.load %arg7[%get3A_31, %get3A_32] : memref<1x256xf32, #tpu.memory_space<vmem>>, vector<1x256xf32>
    %add3A_34 = vector.broadcast %get3A_33 : vector<1x256xf32> to vector<1024x256xf32>
    %add3A_35 = arith.addf %dot_general3A_30, %add3A_34 : vector<1024x256xf32>
    %reshape3A_36 = vector.shape_cast %add3A_35 : vector<1024x256xf32> to vector<2x512x256xf32>
    %swap3A = arith.constant 0 : index
    %swap3A_37 = arith.constant 0 : index
    %swap3A_38 = arith.constant 0 : index
    %swap3A_39 = vector.load %arg9[%swap3A, %swap3A_37, %swap3A_38] : memref<2x512x256xf32, #tpu.memory_space<vmem>>, vector<2x512x256xf32>
    tpu.vector_store %arg9[%swap3A, %swap3A_37, %swap3A_38], %reshape3A_36 {strides = array<i32>} : memref<2x512x256xf32, #tpu.memory_space<vmem>>, vector<2x512x256xf32>,
    %mul3A = arith.mulf %add3A_35, %add3A_35 : vector<1024x256xf32>
    %reduce_sum3A = arith.constant dense<0.000000e+00> : vector<1024xf32>
    %reduce_sum3A_40 = vector.multi_reduction <add>, %mul3A, %reduce_sum3A [1] : vector<1024x256xf32> to vector<1024xf32>
    %broadcast_in_dim3A = vector.shape_cast %reduce_sum3A_40 : vector<1024xf32> to vector<1024x1xf32>
    %sqrt3A = math.sqrt %broadcast_in_dim3A : vector<1024x1xf32>
    %max3A_41 = arith.constant 9.99999996E-13 : f32
    %max3A_42 = vector.broadcast %max3A_41 : f32 to vector<1024x1xf32>
    %max3A_43 = arith.maximumf %sqrt3A, %max3A_42 : vector<1024x1xf32>
    %div3A = vector.broadcast %max3A_43 : vector<1024x1xf32> to vector<1024x256xf32>
    %div3A_44 = arith.divf %add3A_35, %div3A : vector<1024x256xf32>
    %get3A_45 = arith.constant 0 : index
    %get3A_46 = arith.constant 0 : index
    %get3A_47 = vector.load %arg8[%get3A_45, %get3A_46] : memref<8x256xf32, #tpu.memory_space<vmem>>, vector<8x256xf32>
    %dot_general3A_48 = arith.constant dense<0.000000e+00> : vector<1024x8xf32>
    %dot_general3A_49 = tpu.matmul %div3A_44, %get3A_47, %dot_general3A_48 {dimension_numbers = #tpu.dot_dimension_numbers<[1], [1], [0], [0], [0, 0, 1, 0], [], []>, transpose_lhs_hint = false} : vector<1024x256xf32>, vector<8x256xf32>, vector<1024x8xf32> -> vector<1024x8xf32>
    %reshape3A_50 = vector.shape_cast %dot_general3A_49 : vector<1024x8xf32> to vector<2x512x8xf32>
    %transpose3A = tpu.transpose %reshape3A_50, [0, 2, 1] : vector<2x512x8xf32> -> vector<2x8x512xf32>
    %swap3A_51 = arith.constant 0 : index
    %swap3A_52 = arith.constant 0 : index
    %swap3A_53 = arith.constant 0 : index
    %swap3A_54 = vector.load %arg10[%swap3A_51, %swap3A_52, %swap3A_53] : memref<2x8x512xf32, #tpu.memory_space<vmem>>, vector<2x8x512xf32>
    tpu.vector_store %arg10[%swap3A_51, %swap3A_52, %swap3A_53], %transpose3A {strides = array<i32>} : memref<2x8x512xf32, #tpu.memory_space<vmem>>, vector<2x8x512xf32>,
    return
  }
  func.func @transform_0(%arg0: i32) -> (i32, i32, i32) {
    %c0_i32 = arith.constant 0 : i32
    %c0_i32_0 = arith.constant 0 : i32
    %c0_i32_1 = arith.constant 0 : i32
    return %arg0, %c0_i32, %c0_i32_0 : i32, i32, i32
  }
  func.func @transform_1(%arg0: i32) -> (i32, i32) {
    %c0_i32 = arith.constant 0 : i32
    %c0_i32_0 = arith.constant 0 : i32
    %c0_i32_1 = arith.constant 0 : i32
    return %c0_i32, %c0_i32_0 : i32, i32
  }
  func.func @transform_2(%arg0: i32) -> (i32, i32) {
    %c0_i32 = arith.constant 0 : i32
    %c0_i32_0 = arith.constant 0 : i32
    %c0_i32_1 = arith.constant 0 : i32
    return %c0_i32, %c0_i32_0 : i32, i32
  }
  func.func @transform_3(%arg0: i32) -> (i32, i32) {
    %c0_i32 = arith.constant 0 : i32
    %c0_i32_0 = arith.constant 0 : i32
    %c0_i32_1 = arith.constant 0 : i32
    return %c0_i32, %c0_i32_0 : i32, i32
  }
  func.func @transform_4(%arg0: i32) -> (i32, i32) {
    %c0_i32 = arith.constant 0 : i32
    %c0_i32_0 = arith.constant 0 : i32
    %c0_i32_1 = arith.constant 0 : i32
    return %c0_i32, %c0_i32_0 : i32, i32
  }
  func.func @transform_5(%arg0: i32) -> (i32, i32) {
    %c0_i32 = arith.constant 0 : i32
    %c0_i32_0 = arith.constant 0 : i32
    %c0_i32_1 = arith.constant 0 : i32
    return %c0_i32, %c0_i32_0 : i32, i32
  }
  func.func @transform_6(%arg0: i32) -> (i32, i32) {
    %c0_i32 = arith.constant 0 : i32
    %c0_i32_0 = arith.constant 0 : i32
    %c0_i32_1 = arith.constant 0 : i32
    return %c0_i32, %c0_i32_0 : i32, i32
  }
  func.func @transform_7(%arg0: i32) -> (i32, i32) {
    %c0_i32 = arith.constant 0 : i32
    %c0_i32_0 = arith.constant 0 : i32
    %c0_i32_1 = arith.constant 0 : i32
    return %c0_i32, %c0_i32_0 : i32, i32
  }
  func.func @transform_8(%arg0: i32) -> (i32, i32, i32) {
    %c0_i32 = arith.constant 0 : i32
    %c0_i32_0 = arith.constant 0 : i32
    %c0_i32_1 = arith.constant 0 : i32
    return %arg0, %c0_i32, %c0_i32_0 : i32, i32, i32
  }
  func.func @transform_9(%arg0: i32) -> (i32, i32, i32) {
    %c0_i32 = arith.constant 0 : i32
    %c0_i32_0 = arith.constant 0 : i32
    %c0_i32_1 = arith.constant 0 : i32
    return %arg0, %c0_i32, %c0_i32_0 : i32, i32, i32
  }
}

module attributes {stable_mosaic.version = 14 : i64} {
  func.func @_select_body(%arg0: memref<32x8x512xf32, #tpu.memory_space<vmem>>, %arg1: memref<8x256xf32, #tpu.memory_space<vmem>>, %arg2: memref<8x256xf32, #tpu.memory_space<vmem>>, %arg3: memref<32x8x512xf32, #tpu.memory_space<vmem>>, %arg4: memref<32x256xf32, #tpu.memory_space<vmem>>, %arg5: memref<32x256xf32, #tpu.memory_space<vmem>>) attributes {dimension_semantics = [], scalar_prefetch = 0 : i64, scratch_operands = 0 : i64, tpu.core_type = #tpu.core_type<tc>} {
    %get3A = arith.constant 0 : index
    %get3A_0 = arith.constant 0 : index
    %get3A_1 = arith.constant 0 : index
    %get3A_2 = vector.load %arg0[%get3A, %get3A_0, %get3A_1] : memref<32x8x512xf32, #tpu.memory_space<vmem>>, vector<32x8x512xf32>
    %bitcast_convert_type3A = tpu.bitcast %get3A_2 : vector<32x8x512xf32> -> vector<32x8x512xi32>
    %shift_right_arithmetic3A = arith.constant 31 : i32
    %shift_right_arithmetic3A_3 = vector.broadcast %shift_right_arithmetic3A : i32 to vector<32x8x512xi32>
    %shift_right_arithmetic3A_4 = arith.shrsi %bitcast_convert_type3A, %shift_right_arithmetic3A_3 : vector<32x8x512xi32>
    %and3A = arith.constant 2147483647 : i32
    %and3A_5 = vector.broadcast %and3A : i32 to vector<32x8x512xi32>
    %and3A_6 = arith.andi %shift_right_arithmetic3A_4, %and3A_5 : vector<32x8x512xi32>
    %xor3A = arith.xori %bitcast_convert_type3A, %and3A_6 : vector<32x8x512xi32>
    %reduce_min3A = arith.constant dense<2147483647> : vector<32xi32>
    %reduce_min3A_7 = vector.multi_reduction <minsi>, %xor3A, %reduce_min3A [1, 2] : vector<32x8x512xi32> to vector<32xi32>
    %broadcast_in_dim3A = vector.shape_cast %reduce_min3A_7 : vector<32xi32> to vector<32x1x1xi32>
    %reduce_max3A = arith.constant dense<-2147483648> : vector<32xi32>
    %reduce_max3A_8 = vector.multi_reduction <maxsi>, %xor3A, %reduce_max3A [1, 2] : vector<32x8x512xi32> to vector<32xi32>
    %broadcast_in_dim3A_9 = vector.shape_cast %reduce_max3A_8 : vector<32xi32> to vector<32x1x1xi32>
    %scan3A = arith.constant 0 : i32
    %scan3A_10 = arith.constant 32 : i32
    %scan3A_11 = arith.addi %scan3A, %scan3A_10 : i32
    %scan3A_12 = arith.constant 1 : i32
    %scan3A_13:2 = scf.for %scan3A_84 = %scan3A to %scan3A_11 step %scan3A_12 iter_args(%scan3A_85 = %broadcast_in_dim3A, %scan3A_86 = %broadcast_in_dim3A_9) -> (vector<32x1x1xi32>, vector<32x1x1xi32>)  : i32 {
      %and3A_87 = arith.andi %scan3A_85, %scan3A_86 : vector<32x1x1xi32>
      %xor3A_88 = arith.xori %scan3A_85, %scan3A_86 : vector<32x1x1xi32>
      %shift_right_arithmetic3A_89 = arith.constant 1 : i32
      %shift_right_arithmetic3A_90 = vector.broadcast %shift_right_arithmetic3A_89 : i32 to vector<32x1x1xi32>
      %shift_right_arithmetic3A_91 = arith.shrsi %xor3A_88, %shift_right_arithmetic3A_90 : vector<32x1x1xi32>
      %add3A_92 = arith.addi %and3A_87, %shift_right_arithmetic3A_91 : vector<32x1x1xi32>
      %gt3A_93 = vector.broadcast %add3A_92 : vector<32x1x1xi32> to vector<32x8x512xi32>
      %gt3A_94 = arith.cmpi sgt, %xor3A, %gt3A_93 : vector<32x8x512xi32>
      %convert_element_type3A_95 = arith.extui %gt3A_94 : vector<32x8x512xi1> to vector<32x8x512xi32>
      %reduce_sum3A_96 = arith.constant dense<0> : vector<32xi32>
      %reduce_sum3A_97 = vector.multi_reduction <add>, %convert_element_type3A_95, %reduce_sum3A_96 [1, 2] : vector<32x8x512xi32> to vector<32xi32>
      %broadcast_in_dim3A_98 = vector.shape_cast %reduce_sum3A_97 : vector<32xi32> to vector<32x1x1xi32>
      %lt3A = arith.constant 256 : i32
      %lt3A_99 = vector.broadcast %lt3A : i32 to vector<32x1x1xi32>
      %lt3A_100 = arith.cmpi slt, %broadcast_in_dim3A_98, %lt3A_99 : vector<32x1x1xi32>
      %add3A_101 = arith.constant 1 : i32
      %add3A_102 = vector.broadcast %add3A_101 : i32 to vector<32x1x1xi32>
      %add3A_103 = arith.addi %add3A_92, %add3A_102 : vector<32x1x1xi32>
      %select_n3A_104 = arith.select %lt3A_100, %scan3A_85, %add3A_103 : vector<32x1x1xi1>, vector<32x1x1xi32>
      %select_n3A_105 = arith.select %lt3A_100, %add3A_92, %scan3A_86 : vector<32x1x1xi1>, vector<32x1x1xi32>
      scf.yield %select_n3A_104, %select_n3A_105 : vector<32x1x1xi32>, vector<32x1x1xi32>
    }
    %gt3A = vector.broadcast %scan3A_13#1 : vector<32x1x1xi32> to vector<32x8x512xi32>
    %gt3A_14 = arith.cmpi sgt, %xor3A, %gt3A : vector<32x8x512xi32>
    %eq3A = vector.broadcast %scan3A_13#1 : vector<32x1x1xi32> to vector<32x8x512xi32>
    %eq3A_15 = arith.cmpi eq, %xor3A, %eq3A : vector<32x8x512xi32>
    %convert_element_type3A = arith.extui %gt3A_14 : vector<32x8x512xi1> to vector<32x8x512xi32>
    %reduce_sum3A = arith.constant dense<0> : vector<32xi32>
    %reduce_sum3A_16 = vector.multi_reduction <add>, %convert_element_type3A, %reduce_sum3A [1, 2] : vector<32x8x512xi32> to vector<32xi32>
    %broadcast_in_dim3A_17 = vector.shape_cast %reduce_sum3A_16 : vector<32xi32> to vector<32x1x1xi32>
    %sub3A = arith.constant 256 : i32
    %sub3A_18 = vector.broadcast %sub3A : i32 to vector<32x1x1xi32>
    %sub3A_19 = arith.subi %sub3A_18, %broadcast_in_dim3A_17 : vector<32x1x1xi32>
    %iota3A = tpu.iota {dimensions = array<i32: 1>} : vector<32x8x512xi32>
    %iota3A_20 = tpu.iota {dimensions = array<i32: 2>} : vector<32x8x512xi32>
    %mul3A = arith.constant 8 : i32
    %mul3A_21 = vector.broadcast %mul3A : i32 to vector<32x8x512xi32>
    %mul3A_22 = arith.muli %iota3A_20, %mul3A_21 : vector<32x8x512xi32>
    %add3A = arith.addi %mul3A_22, %iota3A : vector<32x8x512xi32>
    %mul3A_23 = arith.constant 512 : i32
    %mul3A_24 = vector.broadcast %mul3A_23 : i32 to vector<32x8x512xi32>
    %mul3A_25 = arith.muli %iota3A, %mul3A_24 : vector<32x8x512xi32>
    %add3A_26 = arith.addi %mul3A_25, %iota3A_20 : vector<32x8x512xi32>
    %broadcast_in_dim3A_27 = arith.constant 0 : i32
    %broadcast_in_dim3A_28 = vector.broadcast %broadcast_in_dim3A_27 : i32 to vector<32x1x1xi32>
    %broadcast_in_dim3A_29 = arith.constant 4095 : i32
    %broadcast_in_dim3A_30 = vector.broadcast %broadcast_in_dim3A_29 : i32 to vector<32x1x1xi32>
    %scan3A_31 = arith.constant 0 : i32
    %scan3A_32 = arith.constant 13 : i32
    %scan3A_33 = arith.addi %scan3A_31, %scan3A_32 : i32
    %scan3A_34 = arith.constant 1 : i32
    %scan3A_35:2 = scf.for %scan3A_84 = %scan3A_31 to %scan3A_33 step %scan3A_34 iter_args(%scan3A_85 = %broadcast_in_dim3A_28, %scan3A_86 = %broadcast_in_dim3A_30) -> (vector<32x1x1xi32>, vector<32x1x1xi32>)  : i32 {
      %and3A_87 = arith.andi %scan3A_85, %scan3A_86 : vector<32x1x1xi32>
      %xor3A_88 = arith.xori %scan3A_85, %scan3A_86 : vector<32x1x1xi32>
      %shift_right_arithmetic3A_89 = arith.constant 1 : i32
      %shift_right_arithmetic3A_90 = vector.broadcast %shift_right_arithmetic3A_89 : i32 to vector<32x1x1xi32>
      %shift_right_arithmetic3A_91 = arith.shrsi %xor3A_88, %shift_right_arithmetic3A_90 : vector<32x1x1xi32>
      %add3A_92 = arith.addi %and3A_87, %shift_right_arithmetic3A_91 : vector<32x1x1xi32>
      %le3A_93 = vector.broadcast %add3A_92 : vector<32x1x1xi32> to vector<32x8x512xi32>
      %le3A_94 = arith.cmpi sle, %add3A, %le3A_93 : vector<32x8x512xi32>
      %and3A_95 = arith.andi %eq3A_15, %le3A_94 : vector<32x8x512xi1>
      %convert_element_type3A_96 = arith.extui %and3A_95 : vector<32x8x512xi1> to vector<32x8x512xi32>
      %reduce_sum3A_97 = arith.constant dense<0> : vector<32xi32>
      %reduce_sum3A_98 = vector.multi_reduction <add>, %convert_element_type3A_96, %reduce_sum3A_97 [1, 2] : vector<32x8x512xi32> to vector<32xi32>
      %broadcast_in_dim3A_99 = vector.shape_cast %reduce_sum3A_98 : vector<32xi32> to vector<32x1x1xi32>
      %ge3A = arith.cmpi sge, %broadcast_in_dim3A_99, %sub3A_19 : vector<32x1x1xi32>
      %add3A_100 = arith.constant 1 : i32
      %add3A_101 = vector.broadcast %add3A_100 : i32 to vector<32x1x1xi32>
      %add3A_102 = arith.addi %add3A_92, %add3A_101 : vector<32x1x1xi32>
      %select_n3A_103 = arith.select %ge3A, %scan3A_85, %add3A_102 : vector<32x1x1xi1>, vector<32x1x1xi32>
      %select_n3A_104 = arith.select %ge3A, %add3A_92, %scan3A_86 : vector<32x1x1xi1>, vector<32x1x1xi32>
      scf.yield %select_n3A_103, %select_n3A_104 : vector<32x1x1xi32>, vector<32x1x1xi32>
    }
    %scan3A_36 = arith.constant 0 : i32
    %scan3A_37 = arith.constant 13 : i32
    %scan3A_38 = arith.addi %scan3A_36, %scan3A_37 : i32
    %scan3A_39 = arith.constant 1 : i32
    %scan3A_40:2 = scf.for %scan3A_84 = %scan3A_36 to %scan3A_38 step %scan3A_39 iter_args(%scan3A_85 = %broadcast_in_dim3A_28, %scan3A_86 = %broadcast_in_dim3A_30) -> (vector<32x1x1xi32>, vector<32x1x1xi32>)  : i32 {
      %and3A_87 = arith.andi %scan3A_85, %scan3A_86 : vector<32x1x1xi32>
      %xor3A_88 = arith.xori %scan3A_85, %scan3A_86 : vector<32x1x1xi32>
      %shift_right_arithmetic3A_89 = arith.constant 1 : i32
      %shift_right_arithmetic3A_90 = vector.broadcast %shift_right_arithmetic3A_89 : i32 to vector<32x1x1xi32>
      %shift_right_arithmetic3A_91 = arith.shrsi %xor3A_88, %shift_right_arithmetic3A_90 : vector<32x1x1xi32>
      %add3A_92 = arith.addi %and3A_87, %shift_right_arithmetic3A_91 : vector<32x1x1xi32>
      %le3A_93 = vector.broadcast %add3A_92 : vector<32x1x1xi32> to vector<32x8x512xi32>
      %le3A_94 = arith.cmpi sle, %add3A_26, %le3A_93 : vector<32x8x512xi32>
      %and3A_95 = arith.andi %eq3A_15, %le3A_94 : vector<32x8x512xi1>
      %convert_element_type3A_96 = arith.extui %and3A_95 : vector<32x8x512xi1> to vector<32x8x512xi32>
      %reduce_sum3A_97 = arith.constant dense<0> : vector<32xi32>
      %reduce_sum3A_98 = vector.multi_reduction <add>, %convert_element_type3A_96, %reduce_sum3A_97 [1, 2] : vector<32x8x512xi32> to vector<32xi32>
      %broadcast_in_dim3A_99 = vector.shape_cast %reduce_sum3A_98 : vector<32xi32> to vector<32x1x1xi32>
      %ge3A = arith.cmpi sge, %broadcast_in_dim3A_99, %sub3A_19 : vector<32x1x1xi32>
      %add3A_100 = arith.constant 1 : i32
      %add3A_101 = vector.broadcast %add3A_100 : i32 to vector<32x1x1xi32>
      %add3A_102 = arith.addi %add3A_92, %add3A_101 : vector<32x1x1xi32>
      %select_n3A_103 = arith.select %ge3A, %scan3A_85, %add3A_102 : vector<32x1x1xi1>, vector<32x1x1xi32>
      %select_n3A_104 = arith.select %ge3A, %add3A_92, %scan3A_86 : vector<32x1x1xi1>, vector<32x1x1xi32>
      scf.yield %select_n3A_103, %select_n3A_104 : vector<32x1x1xi32>, vector<32x1x1xi32>
    }
    %le3A = vector.broadcast %scan3A_35#1 : vector<32x1x1xi32> to vector<32x8x512xi32>
    %le3A_41 = arith.cmpi sle, %add3A, %le3A : vector<32x8x512xi32>
    %and3A_42 = arith.andi %eq3A_15, %le3A_41 : vector<32x8x512xi1>
    %or3A = arith.ori %gt3A_14, %and3A_42 : vector<32x8x512xi1>
    %le3A_43 = vector.broadcast %scan3A_40#1 : vector<32x1x1xi32> to vector<32x8x512xi32>
    %le3A_44 = arith.cmpi sle, %add3A_26, %le3A_43 : vector<32x8x512xi32>
    %and3A_45 = arith.andi %eq3A_15, %le3A_44 : vector<32x8x512xi1>
    %or3A_46 = arith.ori %gt3A_14, %and3A_45 : vector<32x8x512xi1>
    %convert_element_type3A_47 = arith.extui %or3A_46 : vector<32x8x512xi1> to vector<32x8x512xi32>
    %convert_element_type3A_48 = arith.sitofp %convert_element_type3A_47 : vector<32x8x512xi32> to vector<32x8x512xf32>
    %swap3A = arith.constant 0 : index
    %swap3A_49 = arith.constant 0 : index
    %swap3A_50 = arith.constant 0 : index
    %swap3A_51 = vector.load %arg3[%swap3A, %swap3A_49, %swap3A_50] : memref<32x8x512xf32, #tpu.memory_space<vmem>>, vector<32x8x512xf32>
    tpu.vector_store %arg3[%swap3A, %swap3A_49, %swap3A_50], %convert_element_type3A_48 {strides = array<i32>} : memref<32x8x512xf32, #tpu.memory_space<vmem>>, vector<32x8x512xf32>,
    %convert_element_type3A_52 = arith.extui %or3A : vector<32x8x512xi1> to vector<32x8x512xi32>
    %reduce_sum3A_53 = arith.constant dense<0> : vector<32x8xi32>
    %reduce_sum3A_54 = vector.multi_reduction <add>, %convert_element_type3A_52, %reduce_sum3A_53 [2] : vector<32x8x512xi32> to vector<32x8xi32>
    %reduce_max3A_55 = arith.constant dense<-2147483648> : vector<32xi32>
    %reduce_max3A_56 = vector.multi_reduction <maxsi>, %reduce_sum3A_54, %reduce_max3A_55 [1] : vector<32x8xi32> to vector<32xi32>
    %broadcast_in_dim3A_57 = vector.shape_cast %reduce_max3A_56 : vector<32xi32> to vector<32x1xi32>
    %iota3A_58 = tpu.iota {dimensions = array<i32: 1>} : vector<32x8xi32>
    %eq3A_59 = vector.broadcast %broadcast_in_dim3A_57 : vector<32x1xi32> to vector<32x8xi32>
    %eq3A_60 = arith.cmpi eq, %reduce_sum3A_54, %eq3A_59 : vector<32x8xi32>
    %jit3A = arith.constant 8 : i32
    %broadcast_in_dim3A_61 = vector.broadcast %jit3A : i32 to vector<32x8xi32>
    %select_n3A = arith.select %eq3A_60, %iota3A_58, %broadcast_in_dim3A_61 : vector<32x8xi1>, vector<32x8xi32>
    %reduce_min3A_62 = arith.constant dense<2147483647> : vector<32xi32>
    %reduce_min3A_63 = vector.multi_reduction <minsi>, %select_n3A, %reduce_min3A_62 [1] : vector<32x8xi32> to vector<32xi32>
    %broadcast_in_dim3A_64 = vector.shape_cast %reduce_min3A_63 : vector<32xi32> to vector<32x1xi32>
    %eq3A_65 = vector.broadcast %broadcast_in_dim3A_64 : vector<32x1xi32> to vector<32x8xi32>
    %eq3A_66 = arith.cmpi eq, %iota3A_58, %eq3A_65 : vector<32x8xi32>
    %convert_element_type3A_67 = arith.extui %eq3A_66 : vector<32x8xi1> to vector<32x8xi32>
    %convert_element_type3A_68 = arith.sitofp %convert_element_type3A_67 : vector<32x8xi32> to vector<32x8xf32>
    %get3A_69 = arith.constant 0 : index
    %get3A_70 = arith.constant 0 : index
    %get3A_71 = vector.load %arg1[%get3A_69, %get3A_70] : memref<8x256xf32, #tpu.memory_space<vmem>>, vector<8x256xf32>
    %dot_general3A = arith.constant dense<0.000000e+00> : vector<32x256xf32>
    %dot_general3A_72 = tpu.matmul %convert_element_type3A_68, %get3A_71, %dot_general3A {dimension_numbers = #tpu.dot_dimension_numbers<[1], [0], [0], [1], [0, 0, 1, 1], [], []>, precision = #tpu.contract_precision<fp32>, transpose_lhs_hint = false} : vector<32x8xf32>, vector<8x256xf32>, vector<32x256xf32> -> vector<32x256xf32>
    %swap3A_73 = arith.constant 0 : index
    %swap3A_74 = arith.constant 0 : index
    %swap3A_75 = vector.load %arg4[%swap3A_73, %swap3A_74] : memref<32x256xf32, #tpu.memory_space<vmem>>, vector<32x256xf32>
    tpu.vector_store %arg4[%swap3A_73, %swap3A_74], %dot_general3A_72 {strides = array<i32>} : memref<32x256xf32, #tpu.memory_space<vmem>>, vector<32x256xf32>,
    %get3A_76 = arith.constant 0 : index
    %get3A_77 = arith.constant 0 : index
    %get3A_78 = vector.load %arg2[%get3A_76, %get3A_77] : memref<8x256xf32, #tpu.memory_space<vmem>>, vector<8x256xf32>
    %dot_general3A_79 = arith.constant dense<0.000000e+00> : vector<32x256xf32>
    %dot_general3A_80 = tpu.matmul %convert_element_type3A_68, %get3A_78, %dot_general3A_79 {dimension_numbers = #tpu.dot_dimension_numbers<[1], [0], [0], [1], [0, 0, 1, 1], [], []>, precision = #tpu.contract_precision<fp32>, transpose_lhs_hint = false} : vector<32x8xf32>, vector<8x256xf32>, vector<32x256xf32> -> vector<32x256xf32>
    %swap3A_81 = arith.constant 0 : index
    %swap3A_82 = arith.constant 0 : index
    %swap3A_83 = vector.load %arg5[%swap3A_81, %swap3A_82] : memref<32x256xf32, #tpu.memory_space<vmem>>, vector<32x256xf32>
    tpu.vector_store %arg5[%swap3A_81, %swap3A_82], %dot_general3A_80 {strides = array<i32>} : memref<32x256xf32, #tpu.memory_space<vmem>>, vector<32x256xf32>,
    return
  }
}

module attributes {stable_mosaic.version = 14 : i64} {
  func.func @_rad_body(%arg0: memref<32x512xf32, #tpu.memory_space<vmem>>, %arg1: memref<512x512xf32, #tpu.memory_space<vmem>>, %arg2: memref<1x512xf32, #tpu.memory_space<vmem>>, %arg3: memref<512x512xf32, #tpu.memory_space<vmem>>, %arg4: memref<1x512xf32, #tpu.memory_space<vmem>>, %arg5: memref<512x256xf32, #tpu.memory_space<vmem>>, %arg6: memref<1x256xf32, #tpu.memory_space<vmem>>, %arg7: memref<8x256xf32, #tpu.memory_space<vmem>>, %arg8: memref<8x256xf32, #tpu.memory_space<vmem>>, %arg9: memref<8x256xf32, #tpu.memory_space<vmem>>, %arg10: memref<32x256xf32, #tpu.memory_space<vmem>>, %arg11: memref<32x256xf32, #tpu.memory_space<vmem>>, %arg12: memref<32x256xf32, #tpu.memory_space<vmem>>) attributes {dimension_semantics = [], scalar_prefetch = 0 : i64, scratch_operands = 0 : i64, tpu.core_type = #tpu.core_type<tc>} {
    %get3A = arith.constant 0 : index
    %get3A_0 = arith.constant 0 : index
    %get3A_1 = vector.load %arg0[%get3A, %get3A_0] : memref<32x512xf32, #tpu.memory_space<vmem>>, vector<32x512xf32>
    %get3A_2 = arith.constant 0 : index
    %get3A_3 = arith.constant 0 : index
    %get3A_4 = vector.load %arg1[%get3A_2, %get3A_3] : memref<512x512xf32, #tpu.memory_space<vmem>>, vector<512x512xf32>
    %dot_general3A = arith.constant dense<0.000000e+00> : vector<32x512xf32>
    %dot_general3A_5 = tpu.matmul %get3A_1, %get3A_4, %dot_general3A {dimension_numbers = #tpu.dot_dimension_numbers<[1], [0], [0], [1], [0, 0, 1, 1], [], []>, transpose_lhs_hint = false} : vector<32x512xf32>, vector<512x512xf32>, vector<32x512xf32> -> vector<32x512xf32>
    %get3A_6 = arith.constant 0 : index
    %get3A_7 = arith.constant 0 : index
    %get3A_8 = vector.load %arg2[%get3A_6, %get3A_7] : memref<1x512xf32, #tpu.memory_space<vmem>>, vector<1x512xf32>
    %add3A = vector.broadcast %get3A_8 : vector<1x512xf32> to vector<32x512xf32>
    %add3A_9 = arith.addf %dot_general3A_5, %add3A : vector<32x512xf32>
    %max3A = arith.constant 0.000000e+00 : f32
    %max3A_10 = vector.broadcast %max3A : f32 to vector<32x512xf32>
    %max3A_11 = arith.maximumf %add3A_9, %max3A_10 : vector<32x512xf32>
    %get3A_12 = arith.constant 0 : index
    %get3A_13 = arith.constant 0 : index
    %get3A_14 = vector.load %arg3[%get3A_12, %get3A_13] : memref<512x512xf32, #tpu.memory_space<vmem>>, vector<512x512xf32>
    %dot_general3A_15 = arith.constant dense<0.000000e+00> : vector<32x512xf32>
    %dot_general3A_16 = tpu.matmul %max3A_11, %get3A_14, %dot_general3A_15 {dimension_numbers = #tpu.dot_dimension_numbers<[1], [0], [0], [1], [0, 0, 1, 1], [], []>, transpose_lhs_hint = false} : vector<32x512xf32>, vector<512x512xf32>, vector<32x512xf32> -> vector<32x512xf32>
    %get3A_17 = arith.constant 0 : index
    %get3A_18 = arith.constant 0 : index
    %get3A_19 = vector.load %arg4[%get3A_17, %get3A_18] : memref<1x512xf32, #tpu.memory_space<vmem>>, vector<1x512xf32>
    %add3A_20 = vector.broadcast %get3A_19 : vector<1x512xf32> to vector<32x512xf32>
    %add3A_21 = arith.addf %dot_general3A_16, %add3A_20 : vector<32x512xf32>
    %max3A_22 = arith.constant 0.000000e+00 : f32
    %max3A_23 = vector.broadcast %max3A_22 : f32 to vector<32x512xf32>
    %max3A_24 = arith.maximumf %add3A_21, %max3A_23 : vector<32x512xf32>
    %get3A_25 = arith.constant 0 : index
    %get3A_26 = arith.constant 0 : index
    %get3A_27 = vector.load %arg5[%get3A_25, %get3A_26] : memref<512x256xf32, #tpu.memory_space<vmem>>, vector<512x256xf32>
    %dot_general3A_28 = arith.constant dense<0.000000e+00> : vector<32x256xf32>
    %dot_general3A_29 = tpu.matmul %max3A_24, %get3A_27, %dot_general3A_28 {dimension_numbers = #tpu.dot_dimension_numbers<[1], [0], [0], [1], [0, 0, 1, 1], [], []>, transpose_lhs_hint = false} : vector<32x512xf32>, vector<512x256xf32>, vector<32x256xf32> -> vector<32x256xf32>
    %get3A_30 = arith.constant 0 : index
    %get3A_31 = arith.constant 0 : index
    %get3A_32 = vector.load %arg6[%get3A_30, %get3A_31] : memref<1x256xf32, #tpu.memory_space<vmem>>, vector<1x256xf32>
    %add3A_33 = vector.broadcast %get3A_32 : vector<1x256xf32> to vector<32x256xf32>
    %add3A_34 = arith.addf %dot_general3A_29, %add3A_33 : vector<32x256xf32>
    %swap3A = arith.constant 0 : index
    %swap3A_35 = arith.constant 0 : index
    %swap3A_36 = vector.load %arg10[%swap3A, %swap3A_35] : memref<32x256xf32, #tpu.memory_space<vmem>>, vector<32x256xf32>
    tpu.vector_store %arg10[%swap3A, %swap3A_35], %add3A_34 {strides = array<i32>} : memref<32x256xf32, #tpu.memory_space<vmem>>, vector<32x256xf32>,
    %mul3A = arith.mulf %add3A_34, %add3A_34 : vector<32x256xf32>
    %reduce_sum3A = arith.constant dense<0.000000e+00> : vector<32xf32>
    %reduce_sum3A_37 = vector.multi_reduction <add>, %mul3A, %reduce_sum3A [1] : vector<32x256xf32> to vector<32xf32>
    %broadcast_in_dim3A = vector.shape_cast %reduce_sum3A_37 : vector<32xf32> to vector<32x1xf32>
    %sqrt3A = math.sqrt %broadcast_in_dim3A : vector<32x1xf32>
    %max3A_38 = arith.constant 9.99999996E-13 : f32
    %max3A_39 = vector.broadcast %max3A_38 : f32 to vector<32x1xf32>
    %max3A_40 = arith.maximumf %sqrt3A, %max3A_39 : vector<32x1xf32>
    %div3A = vector.broadcast %max3A_40 : vector<32x1xf32> to vector<32x256xf32>
    %div3A_41 = arith.divf %add3A_34, %div3A : vector<32x256xf32>
    %get3A_42 = arith.constant 0 : index
    %get3A_43 = arith.constant 0 : index
    %get3A_44 = vector.load %arg7[%get3A_42, %get3A_43] : memref<8x256xf32, #tpu.memory_space<vmem>>, vector<8x256xf32>
    %dot_general3A_45 = arith.constant dense<0.000000e+00> : vector<32x8xf32>
    %dot_general3A_46 = tpu.matmul %div3A_41, %get3A_44, %dot_general3A_45 {dimension_numbers = #tpu.dot_dimension_numbers<[1], [1], [0], [0], [0, 0, 1, 0], [], []>, transpose_lhs_hint = false} : vector<32x256xf32>, vector<8x256xf32>, vector<32x8xf32> -> vector<32x8xf32>
    %reduce_max3A = arith.constant dense<0xFF800000> : vector<32xf32>
    %reduce_max3A_47 = vector.multi_reduction <maximumf>, %dot_general3A_46, %reduce_max3A [1] : vector<32x8xf32> to vector<32xf32>
    %broadcast_in_dim3A_48 = vector.shape_cast %reduce_max3A_47 : vector<32xf32> to vector<32x1xf32>
    %iota3A = tpu.iota {dimensions = array<i32: 1>} : vector<32x8xi32>
    %eq3A = vector.broadcast %broadcast_in_dim3A_48 : vector<32x1xf32> to vector<32x8xf32>
    %eq3A_49 = arith.cmpf oeq, %dot_general3A_46, %eq3A : vector<32x8xf32>
    %jit3A = arith.constant 8 : i32
    %broadcast_in_dim3A_50 = vector.broadcast %jit3A : i32 to vector<32x8xi32>
    %select_n3A = arith.select %eq3A_49, %iota3A, %broadcast_in_dim3A_50 : vector<32x8xi1>, vector<32x8xi32>
    %reduce_min3A = arith.constant dense<2147483647> : vector<32xi32>
    %reduce_min3A_51 = vector.multi_reduction <minsi>, %select_n3A, %reduce_min3A [1] : vector<32x8xi32> to vector<32xi32>
    %broadcast_in_dim3A_52 = vector.shape_cast %reduce_min3A_51 : vector<32xi32> to vector<32x1xi32>
    %eq3A_53 = vector.broadcast %broadcast_in_dim3A_52 : vector<32x1xi32> to vector<32x8xi32>
    %eq3A_54 = arith.cmpi eq, %iota3A, %eq3A_53 : vector<32x8xi32>
    %convert_element_type3A = arith.extui %eq3A_54 : vector<32x8xi1> to vector<32x8xi32>
    %convert_element_type3A_55 = arith.sitofp %convert_element_type3A : vector<32x8xi32> to vector<32x8xf32>
    %get3A_56 = arith.constant 0 : index
    %get3A_57 = arith.constant 0 : index
    %get3A_58 = vector.load %arg8[%get3A_56, %get3A_57] : memref<8x256xf32, #tpu.memory_space<vmem>>, vector<8x256xf32>
    %dot_general3A_59 = arith.constant dense<0.000000e+00> : vector<32x256xf32>
    %dot_general3A_60 = tpu.matmul %convert_element_type3A_55, %get3A_58, %dot_general3A_59 {dimension_numbers = #tpu.dot_dimension_numbers<[1], [0], [0], [1], [0, 0, 1, 1], [], []>, precision = #tpu.contract_precision<fp32>, transpose_lhs_hint = false} : vector<32x8xf32>, vector<8x256xf32>, vector<32x256xf32> -> vector<32x256xf32>
    %swap3A_61 = arith.constant 0 : index
    %swap3A_62 = arith.constant 0 : index
    %swap3A_63 = vector.load %arg11[%swap3A_61, %swap3A_62] : memref<32x256xf32, #tpu.memory_space<vmem>>, vector<32x256xf32>
    tpu.vector_store %arg11[%swap3A_61, %swap3A_62], %dot_general3A_60 {strides = array<i32>} : memref<32x256xf32, #tpu.memory_space<vmem>>, vector<32x256xf32>,
    %get3A_64 = arith.constant 0 : index
    %get3A_65 = arith.constant 0 : index
    %get3A_66 = vector.load %arg9[%get3A_64, %get3A_65] : memref<8x256xf32, #tpu.memory_space<vmem>>, vector<8x256xf32>
    %dot_general3A_67 = arith.constant dense<0.000000e+00> : vector<32x256xf32>
    %dot_general3A_68 = tpu.matmul %convert_element_type3A_55, %get3A_66, %dot_general3A_67 {dimension_numbers = #tpu.dot_dimension_numbers<[1], [0], [0], [1], [0, 0, 1, 1], [], []>, precision = #tpu.contract_precision<fp32>, transpose_lhs_hint = false} : vector<32x8xf32>, vector<8x256xf32>, vector<32x256xf32> -> vector<32x256xf32>
    %swap3A_69 = arith.constant 0 : index
    %swap3A_70 = arith.constant 0 : index
    %swap3A_71 = vector.load %arg12[%swap3A_69, %swap3A_70] : memref<32x256xf32, #tpu.memory_space<vmem>>, vector<32x256xf32>
    tpu.vector_store %arg12[%swap3A_69, %swap3A_70], %dot_general3A_68 {strides = array<i32>} : memref<32x256xf32, #tpu.memory_space<vmem>>, vector<32x256xf32>,
    return
  }
}

</mosaic_0001>

<sc_bundles>
// kernel: kernel.8.cloned.1.call-start
scs
__scs_entry_jumppad:
0x0: {  	(pc) =	sbr.rel $0x88, $3  }
0x1: {  	(tag) =	ssettag $0x0;
	lr =	simm.s32 $0x1  }
0x2: {  	[smem:$0x3F8B] =	sst lr;
	_ =	strace $0xD0000000  }
0x3: {  	_ = 	snop  }
0x4: {  	_ = 	snop  }
0x5: {  	_ = 	snop  }
0x6: {  	_ = 	snop  }
0x7: {  	_ = 	snop  }
__scs_overlays_trampoline_lowered:
0x8: {  	[smem:$0x3F9A] =	sst s0  }
0x9: {  	[smem:$0x3F9B] =	sst s1  }
0xa: {  	[smem:$0x3F9C] =	sst s2  }
0xb: {  	[smem:$0x3F9D] =	sst s3  }
0xc: {  	[smem:$0x3F9E] =	sst s4  }
0xd: {  	[smem:$0x3F9F] =	sst s5  }
0xe: {  	[smem:$0x3FA0] =	sst s6  }
0xf: {  	[smem:$0x3FA1] =	sst s7  }
0x10: {  	[smem:$0x3FA2] =	sst s8  }
0x11: {  	[smem:$0x3FA3] =	sst s9;
	s0 =	simm.s32 @!p0 $0x0  }
0x12: {  	s1 =	sld [smem:$0x3F89];
	s0 =	simm.s32 @p0 $0x1  }
0x13: {  	[smem:$0x3FA4] =	sst s0;
	s0 =	simm.s32 @!p1 $0x0  }
0x14: {  	s2 =	sld [smem:$0x3F88];
	s0 =	simm.s32 @p1 $0x1  }
0x15: {  	[smem:$0x3FA5] =	sst s0;
	s0 =	simm.s32 @!p2 $0x0  }
0x16: {  	s3 =	sld [smem:$0x3FDB];
	s0 =	simm.s32 @p2 $0x1  }
0x17: {  	s4 =	simm.s32 $0x1BF5;
	[smem:$0x3FA7] =	sst s0  }
0x18: {  	s0 =	sld [smem:$0x3F8A];
	_ =	swait.ge [sflag:s4], $0x0  }
0x19: {  	s7 =	sld [smem:$0x3F8B]  }
0x1a: {  	s8 =	sadd.s32 $0xFFFFE003, lr  }
0x1b: {  	s9 =	sadd.s32 $0xFFFFFEF7, lr;
	s5 =	simm.s32 $0xFFFFFFFF;
	p2 =	slt.u32 s8, $0xFFFFF086  }
0x1c: {  	p1 =	slt.u32 s9, $0xF7A;
	s5 =	simm.s32 @!p2 $0x0  }
0x1d: {  	s5 =	simm.s32 @p1 $0x1;
	p0 =	seq.s32 s7, s2  }
0x1e: {  	s7 =	smul.u32 @!p0 $0xF7A, s2;
	p2 =	seq.s32 @!p0 s5, $0x0  }
0x1f: {  	s9 =	smul.u32 $0xF7A, s1;
	s8 =	simm.s32 @!p0 $0x1BF5;
	p2 =	por !p2, p0  }
0x20: {  	[sflag:s8] =	ssyncset.s32 @!p0 $0xFFFFF086;
	s6 =	sadd.s32 @!p0 s3, s7;
	s7 =	simm.s32 @!p0 $0x108  }
0x21: {  	s3 =	sadd.s32 s3, s9;
	s6 =	sadd.s32 @!p0 $0x88, s6;
	s7 =	simm.s32 @p2 $0x1082  }
0x22: {  	[simem:s7], [sflag:s8] =	dma.local @!p0 [hbm:s6], $0xF7A  }
0x23: {  	s9 =	sor.u32 $0xD0000000, s2;
	s6 =	simm.s32 $0x108;
	_ =	swait.ge @!p0 [sflag:s8], $0x0  }
0x24: {  	s3 =	sadd.s32 $0x88, s3;
	s6 =	simm.s32 @!p1 $0x1082;
	[sflag:s4] =	ssyncset.s32 $0xFFFFF086  }
0x25: {  	[simem:s6], [sflag:s4] =	dma.local [hbm:s3], $0xF7A  }
0x26: {  	[smem:$0x3F8B] =	sst s1;
	(tag) =	ssettag s2;
	_ =	strace s9  }
0x27: {  	s1 =	sld [smem:$0x3F9B]  }
0x28: {  	s2 =	sld [smem:$0x3F9C]  }
0x29: {  	s4 =	sld [smem:$0x3F9E]  }
0x2a: {  	p0 =	seq.s32 s5, $0x0;
	s5 =	sld [smem:$0x3F9F]  }
0x2b: {  	s6 =	sld [smem:$0x3FA0]  }
0x2c: {  	s7 =	sld [smem:$0x3FA1]  }
0x2d: {  	s3 =	simm.s32 $0x108;
	s8 =	sld [smem:$0x3FA2]  }
0x2e: {  	s3 =	simm.s32 @!p0 $0x1082;
	s9 =	sld [smem:$0x3FA3]  }
0x2f: {  	lr =	sadd.s32 s0, s3;
	s0 =	sld [smem:$0x3F9A]  }
0x30: {  	s3 =	sld [smem:$0x3F9D]  }
0x31: {  	[smem:$0x3FA6] =	sst s10  }
0x32: {  	s10 =	sld [smem:$0x3FA4];
	_ =	sdelay $0x3  }
0x33: {  	p0 =	seq.s32 s10, $0x1;
	s10 =	sld [smem:$0x3FA6];
	_ =	sdelay $0x3  }
0x34: {  	[smem:$0x3FA6] =	sst s10  }
0x35: {  	s10 =	sld [smem:$0x3FA5];
	_ =	sdelay $0x3  }
0x36: {  	p1 =	seq.s32 s10, $0x1;
	s10 =	sld [smem:$0x3FA6];
	_ =	sdelay $0x3  }
0x37: {  	[smem:$0x3FA6] =	sst s10  }
0x38: {  	s10 =	sld [smem:$0x3FA7]  }
0x39: {  	_ = 	snop;
	(pc) =	sbr.ind lr, $3  }
0x3a: {  	_ = 	snop  }
0x3b: {  	_ = 	snop  }
0x3c: {  	p2 =	seq.s32 s10, $0x1;
	s10 =	sld [smem:$0x3FA6]  }
0x3d: {  	_ =	shalt  }
0x3e: {  	_ =	shalt  }
0x3f: {  	_ =	shalt  }
0x40: {  	_ =	shalt  }
0x41: {  	_ =	shalt  }
0x42: {  	_ =	shalt  }
0x43: {  	_ =	shalt  }
0x44: {  	_ =	shalt  }
0x45: {  	_ =	shalt  }
0x46: {  	_ =	shalt  }
0x47: {  	_ =	shalt  }
0x48: {  	_ =	shalt  }
0x49: {  	_ =	shalt  }
0x4a: {  	_ =	shalt  }
0x4b: {  	_ =	shalt  }
0x4c: {  	_ =	shalt  }
0x4d: {  	_ =	shalt  }
0x4e: {  	_ =	shalt  }
0x4f: {  	_ =	shalt  }
0x50: {  	_ =	shalt  }
0x51: {  	_ =	shalt  }
0x52: {  	_ =	shalt  }
0x53: {  	_ =	shalt  }
0x54: {  	_ =	shalt  }
0x55: {  	_ =	shalt  }
0x56: {  	_ =	shalt  }
0x57: {  	_ =	shalt  }
0x58: {  	_ =	shalt  }
0x59: {  	_ =	shalt  }
0x5a: {  	_ =	shalt  }
0x5b: {  	_ =	shalt  }
0x5c: {  	_ =	shalt  }
0x5d: {  	_ =	shalt  }
0x5e: {  	_ =	shalt  }
0x5f: {  	_ =	shalt  }
0x60: {  	_ =	shalt  }
0x61: {  	_ =	shalt  }
0x62: {  	_ =	shalt  }
0x63: {  	_ =	shalt  }
0x64: {  	_ =	shalt  }
0x65: {  	_ =	shalt  }
0x66: {  	_ =	shalt  }
0x67: {  	_ =	shalt  }
0x68: {  	_ =	shalt  }
0x69: {  	_ =	shalt  }
0x6a: {  	_ =	shalt  }
0x6b: {  	_ =	shalt  }
0x6c: {  	_ =	shalt  }
0x6d: {  	_ =	shalt  }
0x6e: {  	_ =	shalt  }
0x6f: {  	_ =	shalt  }
0x70: {  	_ =	shalt  }
0x71: {  	_ =	shalt  }
0x72: {  	_ =	shalt  }
0x73: {  	_ =	shalt  }
0x74: {  	_ =	shalt  }
0x75: {  	_ =	shalt  }
0x76: {  	_ =	shalt  }
0x77: {  	_ =	shalt  }
0x78: {  	_ =	shalt  }
0x79: {  	_ =	shalt  }
0x7a: {  	_ =	shalt  }
0x7b: {  	_ =	shalt  }
0x7c: {  	_ =	shalt  }
0x7d: {  	_ =	shalt  }
0x7e: {  	_ =	shalt  }
0x7f: {  	_ =	shalt  }
0x80: {  	_ =	shalt  }
0x81: {  	_ =	shalt  }
0x82: {  	_ =	shalt  }
0x83: {  	_ =	shalt  }
0x84: {  	_ =	shalt  }
0x85: {  	_ =	shalt  }
0x86: {  	_ =	shalt  }
0x87: {  	_ =	shalt  }
.Lfunc_end0:
.L_simem_size_0:
called_computation_lowered:
.L_overlay_start_0:
0x88: {  	s2 =	sld [smem:$0x3FD9]  }
0x89: {  	s3 =	sld [smem:$0x3FFE];
	_ =	sdelay $0x1  }
0x8a: {  	s1 =	srdreg.scid  }
0x8b: {  	s0 =	sand.u32 $0x1, s1  }
0x8c: {  	s14 =	sshll.u32 s0, $0xA;
	s2 =	sadd.s32 s3, s2  }
0x8d: {  	s2 =	sadd.s32 s2, s14  }
0x8e: {  	[smem:$0x3FB2] =	sst s2  }
0x8f: {  	_ = 	snop  }
0x90: {  	s2 =	sld [smem:$0x3FD0];
	_ =	sdelay $0x2  }
0x91: {  	s15 =	simm.s32 $0xA;
	s4 =	simm.s32 $0x10  }
0x92: {  	[smem:s4], [sflag:s15] =	dma.local [hbm:s2], $0x1  }
0x93: {  	_ =	swait.eq [sflag:s15], $0x1  }
0x94: {  	[sflag:s15] =	ssyncset.done $0x0  }
0x95: {  	[sflag:s15] =	ssyncadd.s32 $0xFFFFFFFF  }
0x96: {  	s16 =	sld [smem:$0x13];
	(tm) =	ssettm $0x1  }
0x97: {  	s17 =	sld [smem:$0x3FFB];
	_ =	sdelay $0x3  }
0x98: {  	_ =	strace s17  }
0x99: {  	s3 =	sld [smem:$0x3FFC];
	_ =	sdelay $0x3  }
0x9a: {  	_ =	strace s3  }
0x9b: {  	s3 =	sld [smem:$0x3FFD];
	_ =	sdelay $0x3  }
0x9c: {  	_ =	strace s3  }
0x9d: {  	_ =	strace $0x8FFFFFFF  }
0x9e: {  	s18 =	sld [smem:$0x3FDB];
	_ =	sdelay $0x1  }
0x9f: {  	s19 =	simm.s32 $_scs_section_size  }
0xa0: {  	s5 =	simm.s32 $_size__tile_overlayer_lowered;
	s6 =	simm.s32 $_tile_overlayer_lowered  }
0xa1: {  	s22 =	simm.s32 $0x1BFF;
	s21 =	sshll.u32 s6, $0x1;
	s3 =	sadd.s32 s19, s18  }
0xa2: {  	s7 =	simm.s32 $0x0;
	s20 =	sshll.u32 s5, $0x1;
	s5 =	sadd.s32 s21, s3  }
0xa3: {  	[timem:s7], [sflag:s22] =	dma.local [hbm:s5], s20  }
0xa4: {  	_ =	swait.ge [sflag:s22], s20  }
0xa5: {  	s4 =	ssub.s32 $0x0, s20;
	[sflag:s22] =	ssyncset.done $0x0  }
0xa6: {  	[sflag:s22] =	ssyncadd.s32 s4;
	_ =	sdelay $0x1  }
0xa7: {  	s23 =	simm.s32 $0x1B8B  }
0xa8: {  	_ =	swait.ge [sflag:s23], $0x1  }
0xa9: {  	[sflag:s23] =	ssyncset.done $0x0  }
0xaa: {  	s25 =	simm.s32 $0x1B8E;
	s24 =	sld [smem:$0x3FFE];
	[sflag:s23] =	ssyncadd.s32 $0xFFFFFFFF  }
0xab: {  	s26 =	simm.s32 $execute0_lowered;
	[smem:$0x3FD2] =	sst s25  }
0xac: {  	s5 =	sshll.u32 s26, $0x1;
	_ =	strace $0x80000046;
	[dreg:$0x1] =	wrdreg $0xFFFFFFFF  }
0xad: {  	s28 =	simm.s32 $_size_execute0_lowered;
	s3 =	sadd.s32 s3, s5;
	[dreg:$0x0] =	wrdreg $0x0  }
0xae: {  	s5 =	sshll.u32 s28, $0x1;
	[dreg:$0x2] =	wrdreg s3  }
0xaf: {  	[dreg:$0x3] =	wrdreg s5  }
0xb0: {  	[dreg:$0x4] =	wrdreg $0xC0  }
0xb1: {  	_ =	task [dreg:s7], $0x5FFFF  }
0xb2: {  	[dreg:$0x1] =	wrdreg $0xFFFFFFFF  }
0xb3: {  	[dreg:$0x0] =	wrdreg $0x60  }
0xb4: {  	[dreg:$0x2] =	wrdreg s24  }
0xb5: {  	[dreg:$0x3] =	wrdreg s16  }
0xb6: {  	[dreg:$0x4] =	wrdreg $0x9  }
0xb7: {  	_ =	task.clear_ibuf [dreg:s7], $0x5FFFF;
	_ =	strace $0x90000046  }
0xb8: {  	s29 =	simm.s32 $0x9;
	_ =	strace $0x80000048  }
0xb9: {  	_ =	swait.ge [sflag:s29], $0x1  }
0xba: {  	[sflag:s29] =	ssyncadd.s32 $0xFFFFFFFF  }
0xbb: {  	_ =	strace $0x90000048  }
0xbc: {  	_ =	sfence  }
0xbd: {  	s30 =	sld [smem:$0x0];
	_ =	sdelay $0x2  }
0xbe: {  	s31 =	sshll.u32 s1, $0xD;
	s1 =	sshrl.u32 s1, $0x2  }
0xbf: {  	s3 =	sand.u32 $0x4000, s31;
	s1 =	sadd.s32 s1, s30  }
0xc0: {  	s0 =	sor.u32 s3, s0;
	s1 =	sshll.u32 s1, $0x11  }
0xc1: {  	s0 =	sor.u32 s1, s0  }
0xc2: {  	s0 =	sadd.s32 $0x8F2B, s0  }
0xc3: {  	[sflag:s0] =	ssyncadd.remote.s32 $0x1  }
0xc4: {  	_ =	sfence.sel $0xFFFF  }
0xc5: {  	[dreg:$0x0] =	wrdreg $0xFFFFFFFF;
	(pc) =	sbr.abs _section_cstart, $3  }
0xc6: {  	[dreg:$0x1] =	wrdreg $0xFFFFFFFF  }
0xc7: {  	_ =	task.clear_ibuf [dreg:s7], $0x2FFFF;
	_ =	strace $0x9FFFFFFF  }
0xc8: {  	(tm) =	ssettm $0x7FFFFFFF  }
0xc9: {  	_ =	shalt  }
tec
execute0_lowered:
.L_overlay_start_1:
0x0: {  	(tag) =	ssettag $0x1  }
0x1: {  	s1 =	srdreg.scid;
	s3 =	rddreg [dreg:$0x0]  }
0x2: {  	s0 =	stileid.u32;
	s4 =	rddreg [dreg:$0x1];
	s19 =	simm.s32 $0x900  }
0x3: {  	s20 =	simm.s32 $0x1100;
	s21 =	simm.s32 $0x1900;
	s23 =	simm.s32 $0x2100  }
0x4: {  	s24 =	simm.s32 $0x2900;
	s25 =	simm.s32 $0x3100;
	s26 =	simm.s32 $0x3900  }
0x5: {  	s8 =	simm.s32 $0x4900;
	s9 =	simm.s32 $0x5100;
	s10 =	simm.s32 $0x5900  }
0x6: {  	s11 =	simm.s32 $0x6100;
	s12 =	simm.s32 $0x6900;
	s13 =	simm.s32 $0x7100  }
0x7: {  	s14 =	simm.s32 $0x7900;
	s15 =	simm.s32 $0x8100;
	s16 =	simm.s32 $0x8900  }
0x8: {  	s17 =	simm.s32 $0x9100;
	s1 =	sand.u32 $0x1, s1;
	s2 =	sshll.u32 s0, $0x1  }
0x9: {  	s18 =	simm.s32 $0x9900;
	s5 =	sor.u32 s1, s2;
	s2 =	simm.s32 $0x0  }
0xa: {  	s28 =	simm.s32 $0xE100;
	s29 =	simm.s32 $0xE900;
	[smem:$0x7FF] =	sst s2  }
0xb: {  	s30 =	simm.s32 $0xF100;
	_ =	strace $0x80000047;
	[dreg:$0x5] =	wrdreg s19  }
0xc: {  	s31 =	simm.s32 $0xF900;
	s1 =	ssub.s32 $0x2, s1;
	[dreg:$0x6] =	wrdreg s20  }
0xd: {  	s6 =	sshll.u32 s5, $0x5;
	s5 =	sshll.u32 s5, $0xD;
	[dreg:$0x7] =	wrdreg s21  }
0xe: {  	s22 =	sshrl.u32 s1, $0x1;
	s6 =	sadd.s32 s6, s3;
	[dreg:$0x8] =	wrdreg s23  }
0xf: {  	s4 =	sadd.s32 s4, s5;
	s3 =	sadd.s32 $0x2800, s3;
	[dreg:$0x9] =	wrdreg s24  }
0x10: {  	s1 =	ssub.s32 s1, s22;
	s5 =	simm.s32 $0x2;
	[dreg:$0xa] =	wrdreg s25  }
0x11: {  	[dreg:$0xb] =	wrdreg s26;
	s19 =	simm.s32 $0xA100;
	s20 =	simm.s32 $0xA900  }
0x12: {  	s21 =	simm.s32 $0xB100;
	s22 =	simm.s32 $0xB900;
	s23 =	simm.s32 $0xC100  }
0x13: {  	v2 =	vlaneseq.u32;
	s24 =	simm.s32 $0xC900;
	s25 =	simm.s32 $0xD100;
	s26 =	simm.s32 $0xD900  }
0x14: {  	vm0 =	vmmov $0xffff;
	v1 =	vshrl.u32 v2, $0x3;
	s6 =	sadd.s32 $0x82800, s6;
	[dreg:$0x4] =	wrdreg s4;
	s4 =	smax.u32 s1, $0x1  }
0x15: {  	v0 =	vand.u32 $0x7, v2;
	v2 =	vor.u32 $0x8, v2;
	v1 =	vmul.u32 $0x8, v1;
	s1 =	simm.s32 $0x1;
	[dreg:$0x3] =	wrdreg s6;
	s6 =	simm.s32 $0x100  }
.LBB2_1:
0x16: {  	s0 =	rddreg [dreg:$0x3]  }
0x17: {  	[tilespmem:s2], [sflag:$0x2] =	stream.linear.gather [hbm4b:s0+s2], $0x100, $0x38;
	[tilespmem:$0x10100] =	vst v63  }
0x18: {  	_ =	swait.ge [sflag:s5], $0x100  }
0x19: {  	[sflag:s5] =	ssyncset.done $0x0  }
0x1a: {  	[sflag:s5] =	ssyncadd.s32 $0xFFFFFF00  }
0x1b: {  	v3 =	vld [tilespmem:$0x0];
	_ =	sdelay $0x4  }
0x1c: {  	v4 =	vshll.u32 v3, $0x1  }
0x1d: {  	v3 =	vand.u32 $0x7, v3;
	v4 =	vand.u32 $0xFFFFFFF0, v4  }
0x1e: {  	v3 =	vor.u32 v3, v4  }
0x1f: {  	v4 =	vperm.xlane v3, v0;
	_ =	sdelay $0x1  }
0x20: {  	v3 =	vperm.xlane v3, v2;
	v4 =	vadd.s32 v1, v4;
	_ =	sdelay $0x1  }
0x21: {  	v3 =	vadd.s32 v1, v3;
	_ =	sdelay $0x2  }
0x22: {  	[tilespmem:s6], [sflag:$0x1] =	stream.indirect_vreg.gather [hbm4b:s3+s2], $0x80, v4, vm0, $0xb8;
	[tilespmem:$0x10100] =	vst v63  }
0x23: {  	s7 =	rddreg [dreg:$0x5]  }
0x24: {  	[tilespmem:s7], [sflag:$0x1] =	stream.indirect_vreg.gather [hbm4b:s3+s2], $0x80, v3, vm0, $0xb8;
	[tilespmem:$0x10100] =	vst v63  }
0x25: {  	v3 =	vld [tilespmem:$0x10];
	_ =	sdelay $0x4  }
0x26: {  	v49 =	vshll.u32 v3, $0x1  }
0x27: {  	v3 =	vand.u32 $0x7, v3;
	v4 =	vand.u32 $0xFFFFFFF0, v49  }
0x28: {  	v3 =	vor.u32 v3, v4  }
0x29: {  	v4 =	vperm.xlane v3, v0;
	_ =	sdelay $0x1  }
0x2a: {  	v3 =	vperm.xlane v3, v2;
	v4 =	vadd.s32 v1, v4;
	_ =	sdelay $0x1  }
0x2b: {  	v3 =	vadd.s32 v1, v3;
	_ =	sdelay $0x1  }
0x2c: {  	s0 =	rddreg [dreg:$0x6]  }
0x2d: {  	[tilespmem:s0], [sflag:$0x1] =	stream.indirect_vreg.gather [hbm4b:s3+s2], $0x80, v4, vm0, $0xb8;
	[tilespmem:$0x10100] =	vst v63  }
0x2e: {  	s7 =	rddreg [dreg:$0x7]  }
0x2f: {  	[tilespmem:s7], [sflag:$0x1] =	stream.indirect_vreg.gather [hbm4b:s3+s2], $0x80, v3, vm0, $0xb8;
	[tilespmem:$0x10100] =	vst v63  }
0x30: {  	v3 =	vld [tilespmem:$0x20];
	_ =	sdelay $0x4  }
0x31: {  	v50 =	vshll.u32 v3, $0x1  }
0x32: {  	v3 =	vand.u32 $0x7, v3;
	v4 =	vand.u32 $0xFFFFFFF0, v50  }
0x33: {  	v3 =	vor.u32 v3, v4  }
0x34: {  	v4 =	vperm.xlane v3, v0;
	_ =	sdelay $0x1  }
0x35: {  	v3 =	vperm.xlane v3, v2;
	v4 =	vadd.s32 v1, v4;
	_ =	sdelay $0x1  }
0x36: {  	v3 =	vadd.s32 v1, v3;
	_ =	sdelay $0x1  }
0x37: {  	s0 =	rddreg [dreg:$0x8]  }
0x38: {  	[tilespmem:s0], [sflag:$0x1] =	stream.indirect_vreg.gather [hbm4b:s3+s2], $0x80, v4, vm0, $0xb8;
	[tilespmem:$0x10100] =	vst v63  }
0x39: {  	s7 =	rddreg [dreg:$0x9]  }
0x3a: {  	[tilespmem:s7], [sflag:$0x1] =	stream.indirect_vreg.gather [hbm4b:s3+s2], $0x80, v3, vm0, $0xb8;
	[tilespmem:$0x10100] =	vst v63  }
0x3b: {  	v3 =	vld [tilespmem:$0x30];
	_ =	sdelay $0x4  }
0x3c: {  	v51 =	vshll.u32 v3, $0x1  }
0x3d: {  	v3 =	vand.u32 $0x7, v3;
	v4 =	vand.u32 $0xFFFFFFF0, v51  }
0x3e: {  	v3 =	vor.u32 v3, v4  }
0x3f: {  	v4 =	vperm.xlane v3, v0;
	_ =	sdelay $0x1  }
0x40: {  	v3 =	vperm.xlane v3, v2;
	v4 =	vadd.s32 v1, v4;
	_ =	sdelay $0x1  }
0x41: {  	v3 =	vadd.s32 v1, v3;
	_ =	sdelay $0x1  }
0x42: {  	s0 =	rddreg [dreg:$0xa]  }
0x43: {  	[tilespmem:s0], [sflag:$0x1] =	stream.indirect_vreg.gather [hbm4b:s3+s2], $0x80, v4, vm0, $0xb8;
	[tilespmem:$0x10100] =	vst v63  }
0x44: {  	s7 =	rddreg [dreg:$0xb]  }
0x45: {  	[tilespmem:s7], [sflag:$0x1] =	stream.indirect_vreg.gather [hbm4b:s3+s2], $0x80, v3, vm0, $0xb8;
	[tilespmem:$0x10100] =	vst v63  }
0x46: {  	v3 =	vld [tilespmem:$0x40];
	_ =	sdelay $0x4  }
0x47: {  	v52 =	vshll.u32 v3, $0x1  }
0x48: {  	v3 =	vand.u32 $0x7, v3;
	v4 =	vand.u32 $0xFFFFFFF0, v52  }
0x49: {  	v3 =	vor.u32 v3, v4  }
0x4a: {  	v4 =	vperm.xlane v3, v0;
	_ =	sdelay $0x1  }
0x4b: {  	v3 =	vperm.xlane v3, v2;
	v4 =	vadd.s32 v1, v4;
	_ =	sdelay $0x1  }
0x4c: {  	v3 =	vadd.s32 v1, v3;
	_ =	sdelay $0x1  }
0x4d: {  	s7 =	simm.s32 $0x4100  }
0x4e: {  	[tilespmem:s7], [sflag:$0x1] =	stream.indirect_vreg.gather [hbm4b:s3+s2], $0x80, v4, vm0, $0xb8;
	[tilespmem:$0x10100] =	vst v63  }
0x4f: {  	_ = 	snop  }
0x50: {  	[tilespmem:s8], [sflag:$0x1] =	stream.indirect_vreg.gather [hbm4b:s3+s2], $0x80, v3, vm0, $0xb8;
	[tilespmem:$0x10100] =	vst v63  }
0x51: {  	v3 =	vld [tilespmem:$0x50];
	_ =	sdelay $0x4  }
0x52: {  	v53 =	vshll.u32 v3, $0x1  }
0x53: {  	v3 =	vand.u32 $0x7, v3;
	v4 =	vand.u32 $0xFFFFFFF0, v53  }
0x54: {  	v3 =	vor.u32 v3, v4  }
0x55: {  	v4 =	vperm.xlane v3, v0;
	_ =	sdelay $0x1  }
0x56: {  	v3 =	vperm.xlane v3, v2;
	v4 =	vadd.s32 v1, v4;
	_ =	sdelay $0x1  }
0x57: {  	v3 =	vadd.s32 v1, v3;
	_ =	sdelay $0x2  }
0x58: {  	[tilespmem:s9], [sflag:$0x1] =	stream.indirect_vreg.gather [hbm4b:s3+s2], $0x80, v4, vm0, $0xb8;
	[tilespmem:$0x10100] =	vst v63  }
0x59: {  	_ = 	snop  }
0x5a: {  	[tilespmem:s10], [sflag:$0x1] =	stream.indirect_vreg.gather [hbm4b:s3+s2], $0x80, v3, vm0, $0xb8;
	[tilespmem:$0x10100] =	vst v63  }
0x5b: {  	v3 =	vld [tilespmem:$0x60];
	_ =	sdelay $0x4  }
0x5c: {  	v54 =	vshll.u32 v3, $0x1  }
0x5d: {  	v3 =	vand.u32 $0x7, v3;
	v4 =	vand.u32 $0xFFFFFFF0, v54  }
0x5e: {  	v3 =	vor.u32 v3, v4  }
0x5f: {  	v4 =	vperm.xlane v3, v0;
	_ =	sdelay $0x1  }
0x60: {  	v3 =	vperm.xlane v3, v2;
	v4 =	vadd.s32 v1, v4;
	_ =	sdelay $0x1  }
0x61: {  	v3 =	vadd.s32 v1, v3;
	_ =	sdelay $0x2  }
0x62: {  	[tilespmem:s11], [sflag:$0x1] =	stream.indirect_vreg.gather [hbm4b:s3+s2], $0x80, v4, vm0, $0xb8;
	[tilespmem:$0x10100] =	vst v63  }
0x63: {  	_ = 	snop  }
0x64: {  	[tilespmem:s12], [sflag:$0x1] =	stream.indirect_vreg.gather [hbm4b:s3+s2], $0x80, v3, vm0, $0xb8;
	[tilespmem:$0x10100] =	vst v63  }
0x65: {  	v3 =	vld [tilespmem:$0x70];
	_ =	sdelay $0x4  }
0x66: {  	v55 =	vshll.u32 v3, $0x1  }
0x67: {  	v3 =	vand.u32 $0x7, v3;
	v4 =	vand.u32 $0xFFFFFFF0, v55  }
0x68: {  	v3 =	vor.u32 v3, v4  }
0x69: {  	v4 =	vperm.xlane v3, v0;
	_ =	sdelay $0x1  }
0x6a: {  	v3 =	vperm.xlane v3, v2;
	v4 =	vadd.s32 v1, v4;
	_ =	sdelay $0x1  }
0x6b: {  	v3 =	vadd.s32 v1, v3;
	_ =	sdelay $0x2  }
0x6c: {  	[tilespmem:s13], [sflag:$0x1] =	stream.indirect_vreg.gather [hbm4b:s3+s2], $0x80, v4, vm0, $0xb8;
	[tilespmem:$0x10100] =	vst v63  }
0x6d: {  	_ = 	snop  }
0x6e: {  	[tilespmem:s14], [sflag:$0x1] =	stream.indirect_vreg.gather [hbm4b:s3+s2], $0x80, v3, vm0, $0xb8;
	[tilespmem:$0x10100] =	vst v63  }
0x6f: {  	v3 =	vld [tilespmem:$0x80];
	_ =	sdelay $0x4  }
0x70: {  	v56 =	vshll.u32 v3, $0x1  }
0x71: {  	v3 =	vand.u32 $0x7, v3;
	v4 =	vand.u32 $0xFFFFFFF0, v56  }
0x72: {  	v3 =	vor.u32 v3, v4  }
0x73: {  	v4 =	vperm.xlane v3, v0;
	_ =	sdelay $0x1  }
0x74: {  	v3 =	vperm.xlane v3, v2;
	v4 =	vadd.s32 v1, v4;
	_ =	sdelay $0x1  }
0x75: {  	v3 =	vadd.s32 v1, v3;
	_ =	sdelay $0x2  }
0x76: {  	[tilespmem:s15], [sflag:$0x1] =	stream.indirect_vreg.gather [hbm4b:s3+s2], $0x80, v4, vm0, $0xb8;
	[tilespmem:$0x10100] =	vst v63  }
0x77: {  	_ = 	snop  }
0x78: {  	[tilespmem:s16], [sflag:$0x1] =	stream.indirect_vreg.gather [hbm4b:s3+s2], $0x80, v3, vm0, $0xb8;
	[tilespmem:$0x10100] =	vst v63  }
0x79: {  	v3 =	vld [tilespmem:$0x90];
	_ =	sdelay $0x4  }
0x7a: {  	v57 =	vshll.u32 v3, $0x1  }
0x7b: {  	v3 =	vand.u32 $0x7, v3;
	v4 =	vand.u32 $0xFFFFFFF0, v57  }
0x7c: {  	v3 =	vor.u32 v3, v4  }
0x7d: {  	v4 =	vperm.xlane v3, v0;
	_ =	sdelay $0x1  }
0x7e: {  	v3 =	vperm.xlane v3, v2;
	v4 =	vadd.s32 v1, v4;
	_ =	sdelay $0x1  }
0x7f: {  	v3 =	vadd.s32 v1, v3;
	_ =	sdelay $0x2  }
0x80: {  	[tilespmem:s17], [sflag:$0x1] =	stream.indirect_vreg.gather [hbm4b:s3+s2], $0x80, v4, vm0, $0xb8;
	[tilespmem:$0x10100] =	vst v63  }
0x81: {  	_ = 	snop  }
0x82: {  	[tilespmem:s18], [sflag:$0x1] =	stream.indirect_vreg.gather [hbm4b:s3+s2], $0x80, v3, vm0, $0xb8;
	[tilespmem:$0x10100] =	vst v63  }
0x83: {  	v3 =	vld [tilespmem:$0xA0];
	_ =	sdelay $0x4  }
0x84: {  	v58 =	vshll.u32 v3, $0x1  }
0x85: {  	v3 =	vand.u32 $0x7, v3;
	v4 =	vand.u32 $0xFFFFFFF0, v58  }
0x86: {  	v3 =	vor.u32 v3, v4  }
0x87: {  	v4 =	vperm.xlane v3, v0;
	_ =	sdelay $0x1  }
0x88: {  	v3 =	vperm.xlane v3, v2;
	v4 =	vadd.s32 v1, v4;
	_ =	sdelay $0x1  }
0x89: {  	v3 =	vadd.s32 v1, v3;
	_ =	sdelay $0x2  }
0x8a: {  	[tilespmem:s19], [sflag:$0x1] =	stream.indirect_vreg.gather [hbm4b:s3+s2], $0x80, v4, vm0, $0xb8;
	[tilespmem:$0x10100] =	vst v63  }
0x8b: {  	_ = 	snop  }
0x8c: {  	[tilespmem:s20], [sflag:$0x1] =	stream.indirect_vreg.gather [hbm4b:s3+s2], $0x80, v3, vm0, $0xb8;
	[tilespmem:$0x10100] =	vst v63  }
0x8d: {  	v3 =	vld [tilespmem:$0xB0];
	_ =	sdelay $0x4  }
0x8e: {  	v59 =	vshll.u32 v3, $0x1  }
0x8f: {  	v3 =	vand.u32 $0x7, v3;
	v4 =	vand.u32 $0xFFFFFFF0, v59  }
0x90: {  	v3 =	vor.u32 v3, v4  }
0x91: {  	v4 =	vperm.xlane v3, v0;
	_ =	sdelay $0x1  }
0x92: {  	v3 =	vperm.xlane v3, v2;
	v4 =	vadd.s32 v1, v4;
	_ =	sdelay $0x1  }
0x93: {  	v3 =	vadd.s32 v1, v3;
	_ =	sdelay $0x2  }
0x94: {  	[tilespmem:s21], [sflag:$0x1] =	stream.indirect_vreg.gather [hbm4b:s3+s2], $0x80, v4, vm0, $0xb8;
	[tilespmem:$0x10100] =	vst v63  }
0x95: {  	_ = 	snop  }
0x96: {  	[tilespmem:s22], [sflag:$0x1] =	stream.indirect_vreg.gather [hbm4b:s3+s2], $0x80, v3, vm0, $0xb8;
	[tilespmem:$0x10100] =	vst v63  }
0x97: {  	v3 =	vld [tilespmem:$0xC0];
	_ =	sdelay $0x4  }
0x98: {  	v60 =	vshll.u32 v3, $0x1  }
0x99: {  	v3 =	vand.u32 $0x7, v3;
	v4 =	vand.u32 $0xFFFFFFF0, v60  }
0x9a: {  	v3 =	vor.u32 v3, v4  }
0x9b: {  	v4 =	vperm.xlane v3, v0;
	_ =	sdelay $0x1  }
0x9c: {  	v3 =	vperm.xlane v3, v2;
	v4 =	vadd.s32 v1, v4;
	_ =	sdelay $0x1  }
0x9d: {  	v3 =	vadd.s32 v1, v3;
	_ =	sdelay $0x2  }
0x9e: {  	[tilespmem:s23], [sflag:$0x1] =	stream.indirect_vreg.gather [hbm4b:s3+s2], $0x80, v4, vm0, $0xb8;
	[tilespmem:$0x10100] =	vst v63  }
0x9f: {  	_ = 	snop  }
0xa0: {  	[tilespmem:s24], [sflag:$0x1] =	stream.indirect_vreg.gather [hbm4b:s3+s2], $0x80, v3, vm0, $0xb8;
	[tilespmem:$0x10100] =	vst v63  }
0xa1: {  	v3 =	vld [tilespmem:$0xD0];
	_ =	sdelay $0x4  }
0xa2: {  	v61 =	vshll.u32 v3, $0x1  }
0xa3: {  	v3 =	vand.u32 $0x7, v3;
	v4 =	vand.u32 $0xFFFFFFF0, v61  }
0xa4: {  	v3 =	vor.u32 v3, v4  }
0xa5: {  	v4 =	vperm.xlane v3, v0;
	_ =	sdelay $0x1  }
0xa6: {  	v3 =	vperm.xlane v3, v2;
	v4 =	vadd.s32 v1, v4;
	_ =	sdelay $0x1  }
0xa7: {  	v3 =	vadd.s32 v1, v3;
	_ =	sdelay $0x2  }
0xa8: {  	[tilespmem:s25], [sflag:$0x1] =	stream.indirect_vreg.gather [hbm4b:s3+s2], $0x80, v4, vm0, $0xb8;
	[tilespmem:$0x10100] =	vst v63  }
0xa9: {  	_ = 	snop  }
0xaa: {  	[tilespmem:s26], [sflag:$0x1] =	stream.indirect_vreg.gather [hbm4b:s3+s2], $0x80, v3, vm0, $0xb8;
	[tilespmem:$0x10100] =	vst v63  }
0xab: {  	v3 =	vld [tilespmem:$0xE0];
	_ =	sdelay $0x4  }
0xac: {  	v62 =	vshll.u32 v3, $0x1  }
0xad: {  	v3 =	vand.u32 $0x7, v3;
	v4 =	vand.u32 $0xFFFFFFF0, v62  }
0xae: {  	v3 =	vor.u32 v3, v4  }
0xaf: {  	v4 =	vperm.xlane v3, v0;
	_ =	sdelay $0x1  }
0xb0: {  	v3 =	vperm.xlane v3, v2;
	v4 =	vadd.s32 v1, v4;
	_ =	sdelay $0x1  }
0xb1: {  	v3 =	vadd.s32 v1, v3;
	_ =	sdelay $0x2  }
0xb2: {  	[tilespmem:s28], [sflag:$0x1] =	stream.indirect_vreg.gather [hbm4b:s3+s2], $0x80, v4, vm0, $0xb8;
	[tilespmem:$0x10100] =	vst v63  }
0xb3: {  	_ = 	snop  }
0xb4: {  	[tilespmem:s29], [sflag:$0x1] =	stream.indirect_vreg.gather [hbm4b:s3+s2], $0x80, v3, vm0, $0xb8;
	[tilespmem:$0x10100] =	vst v63  }
0xb5: {  	v3 =	vld [tilespmem:$0xF0];
	_ =	sdelay $0x4  }
0xb6: {  	v63 =	vshll.u32 v3, $0x1  }
0xb7: {  	v3 =	vand.u32 $0x7, v3;
	v4 =	vand.u32 $0xFFFFFFF0, v63  }
0xb8: {  	v3 =	vor.u32 v3, v4  }
0xb9: {  	v4 =	vperm.xlane v3, v0;
	_ =	sdelay $0x1  }
0xba: {  	v3 =	vperm.xlane v3, v2;
	v4 =	vadd.s32 v1, v4;
	_ =	sdelay $0x1  }
0xbb: {  	v3 =	vadd.s32 v1, v3;
	_ =	sdelay $0x2  }
0xbc: {  	[tilespmem:s30], [sflag:$0x1] =	stream.indirect_vreg.gather [hbm4b:s3+s2], $0x80, v4, vm0, $0xb8;
	[tilespmem:$0x10100] =	vst v63  }
0xbd: {  	_ = 	snop  }
0xbe: {  	[tilespmem:s31], [sflag:$0x1] =	stream.indirect_vreg.gather [hbm4b:s3+s2], $0x80, v3, vm0, $0xb8;
	[tilespmem:$0x10100] =	vst v63  }
0xbf: {  	_ =	swait.ge [sflag:s1], $0x8000  }
0xc0: {  	[sflag:s1] =	ssyncset.done $0x0  }
0xc1: {  	[sflag:s1] =	ssyncadd.s32 $0xFFFF8000  }
0xc2: {  	_ =	swait.ge [sflag:s1], $0x8000  }
0xc3: {  	p0 =	sne.s32 s4, $0x1;
	[sflag:s1] =	ssyncset.done $0x0  }
.Ltmp0:
0xc4: {  	s7 =	rddreg [dreg:$0x4];
	[sflag:s1] =	ssyncadd.s32 $0xFFFF8000;
	(pc) =	sbr.rel @p0 .LBB2_1-.Ltmp0, $4  }
0xc5: {  	[hbm4b:s7+s2] =	stream.linear.scatter [tilespmem:s6], [sflag:$0x2], $0x10000, $0x38;
	[tilespmem:$0x10100] =	vst v63  }
0xc6: {  	_ =	swait.ge [sflag:s5], $0x10000  }
0xc7: {  	[sflag:s5] =	ssyncset.done $0x0  }
0xc8: {  	s4 =	sadd.s32 $0xFFFFFFFF, s4;
	[sflag:s5] =	ssyncadd.s32 $0xFFFF0000  }
0xc9: {  	_ =	sfence.sel $0x180000  }
0xca: {  	[bflag:$0x0] =	sbarrier.arrive $0xFFFF  }
0xcb: {  	_ =	strace $0x90000047  }
0xcc: {  	s0 =	stileid.u32;
	[bflag:$0x2] =	sbarrier.arrive $0xFFFF  }
0xcd: {  	p0 =	sne.s32 s0, $0x0;
	s0 =	rddreg [dreg:$0x2]  }
0xce: {  	s0 =	sadd.s32 @!p0 $0x100000, s0  }
0xcf: {  	[sflag:s0] =	ssyncadd.tile.s32 @!p0 $0x1;
	_ =	shalt  }
.Lfunc_end2:
_tile_overlayer_lowered:
.L_overlay_start_2:
0xd0: {  	(tag) =	ssettag $0x2  }
0xd1: {  	s0 =	rddreg [dreg:$0x0];
	s2 =	stileid.u32  }
0xd2: {  	s1 =	rddreg [dreg:$0x1];
	p0 =	sne.s32 s2, $0x0  }
0xd3: {  	s3 =	rddreg [dreg:$0x2];
	[bflag:$0x3] =	sbarrier.arrive $0xFFFF;
	s2 =	simm.s32 @!p0 $0x1C02  }
0xd4: {  	[timem:s3], [sflag:s2] =	dma.local @!p0 [hbm:s0], s1  }
0xd5: {  	s0 =	simm.s32 @!p0 $0x2  }
0xd6: {  	_ =	swait.ge @!p0 [sflag:s0], s1  }
0xd7: {  	s1 =	ssub.s32 @!p0 $0x0, s1;
	[sflag:s0] =	ssyncset.done @!p0 $0x0  }
0xd8: {  	[sflag:s0] =	ssyncadd.s32 @!p0 s1  }
0xd9: {  	[bflag:$0x3] =	sbarrier.arrive $0xFFFF  }
0xda: {  	_ =	shalt  }

</sc_bundles>
